<compile_context>
chip_gen: v7x
topology: tpu7x:2x2x1
jax: 0.10.2.dev20260603
libtpu: 0.0.44.dev20260713+nightly
codegen_flags: <defaults>
</compile_context>

<pallas_src>
import jax
import jax.numpy as jnp
from jax import lax
from jax.experimental import pallas as pl
from jax.experimental.pallas import tpu as pltpu
from jax.experimental.pallas import tpu_sc as plsc

NC, NS = 2, 16
NW = NC * NS
CH = 128
B = 1024 * 200
BPW = B // NW
NCHUNK = BPW // CH
NB = 5
PF = 2
NGROUP = NCHUNK // NB
HID = 128


def _body(x_hbm, table_hbm, out_hbm, idx_v, rows_v, gsem, osem):
    wid = lax.axis_index("s") * NC + lax.axis_index("c")
    pltpu.sync_copy(x_hbm.at[wid], idx_v)

    def gather(j, slot):
        return pltpu.make_async_copy(
            table_hbm.at[idx_v.at[j]], rows_v.at[slot], gsem.at[slot])

    def outcopy(j, slot):
        return pltpu.make_async_copy(
            rows_v.at[slot], out_hbm.at[wid, j], osem.at[slot])

    def step(j, b, drain, prefetch):
        gather(j, b).wait()
        outcopy(j, b).start()
        sp = (b + PF) % NB
        if drain:
            outcopy(j + PF - NB, sp).wait()
        if prefetch:
            gather(j + PF, sp).start()

    for b in range(PF):
        gather(b, b).start()

    for b in range(NB):
        step(b, b, drain=(b + PF >= NB), prefetch=True)

    @pl.loop(1, NGROUP - 1)
    def grp(g):
        j0 = g * NB
        for b in range(NB):
            step(j0 + b, b, drain=True, prefetch=True)

    for b in range(NB):
        j = (NGROUP - 1) * NB + b
        live = j + PF < NCHUNK
        step(j, b, drain=live, prefetch=live)

    for b in range(NB):
        outcopy(NCHUNK - NB + b, b).wait()


@jax.jit
def _embed(x_flat, table):
    mesh = plsc.VectorSubcoreMesh(core_axis_name="c", subcore_axis_name="s")
    f = pl.kernel(
        _body,
        out_type=jax.ShapeDtypeStruct((NW, NCHUNK, CH, HID), jnp.float32),
        mesh=mesh,
        scratch_types=[
            pltpu.VMEM((NCHUNK, CH), jnp.int32),
            pltpu.VMEM((NB, CH, HID), jnp.float32),
            pltpu.SemaphoreType.DMA((NB,)),
            pltpu.SemaphoreType.DMA((NB,)),
        ],
    )
    return f(x_flat.reshape(NW, NCHUNK, CH), table)


def kernel(x, table):
    out = _embed(x.reshape(-1), table)
    return out.reshape(x.shape + (HID,))

# --- scband reference (transcript-rebuilt; emitter-appended) ---
"""Pipeline reference for scband-embedding-88244398063784 (READ-ONLY COPY).

The authoritative reference and input builder live on the scoring server;
editing this copy changes nothing except your own understanding.
"""

import jax, jax.numpy as jnp
import numpy as np

NUM_EMBEDDINGS = 100000
HIDDEN_SIZE = 128

def setup_inputs(seed: int = 0) -> dict:
    key = jax.random.key(seed)
    k_idx, k_tab = jax.random.split(key)
    x = jax.random.randint(k_idx, (1024, 200), 0, NUM_EMBEDDINGS, dtype=jnp.int64 if jax.config.jax_enable_x64 else jnp.int32)
    table = jax.random.normal(k_tab, (NUM_EMBEDDINGS, HIDDEN_SIZE), dtype=jnp.float32)
    return {"x": x, "table": table}

def reference(x, table):
    # nn.Embedding forward: row gather from the embedding table
    return jnp.take(table, x, axis=0)

if __name__ == "__main__":
    import jax
    _d = setup_inputs()
    print(jax.jit(kernel)(*tuple(_d.values())))

</pallas_src>

<mosaic_0001>
#map = affine_map<(d0, d1) -> (0, 0, 0)>
#map1 = affine_map<(d0, d1) -> (0, 0)>
#map2 = affine_map<(d0, d1) -> (0, 0, 0, 0)>
module attributes {stable_mosaic.version = 14 : i64} {
  func.func @_body(%arg0: i32, %arg1: i32, %arg2: memref<32x50x128xi32, #tpu.memory_space<hbm>>, %arg3: memref<100000x128xf32, #tpu.memory_space<hbm>>, %arg4: memref<32x50x128x128xf32, #tpu.memory_space<hbm>>, %arg5: memref<50x128xi32, #tpu.memory_space<vmem>>, %arg6: memref<5x128x128xf32, #tpu.memory_space<vmem>>, %arg7: memref<5x!tpu.dma_semaphore, #tpu.memory_space<semaphore_mem>>, %arg8: memref<5x!tpu.dma_semaphore, #tpu.memory_space<semaphore_mem>>) attributes {dimension_semantics = [#tpu.dimension_semantics<core_parallel>, #tpu.dimension_semantics<subcore_parallel>], iteration_bounds = array<i64: 2, 16>, scalar_prefetch = 0 : i64, scratch_operands = 4 : i64, tpu.core_type = #tpu.core_type<sc_vector_subcore>, window_params = [{transform_indices = #map}, {transform_indices = #map1}, {transform_indices = #map2}]} {
    %mul3A = arith.constant 2 : i32
    %mul3A_0 = arith.muli %arg1, %mul3A : i32
    %add3A = arith.addi %mul3A_0, %arg0 : i32
    "tpu.region"() ({
      %run_scoped3A = tpu.sem_alloc : memref<!tpu.dma_semaphore, #tpu.memory_space<semaphore_mem>>
      %dma_start3A_723 = arith.constant 0 : i32
      %dma_start3A_724 = arith.constant 0 : i32
      %dma_start3A_725 = tpu.memref_slice %arg2[%add3A, %dma_start3A_723, %dma_start3A_724] : memref<32x50x128xi32, #tpu.memory_space<hbm>> -> memref<1x50x128xi32, #tpu.memory_space<hbm>>
      %dma_start3A_726 = tpu.memref_squeeze %dma_start3A_725 : memref<1x50x128xi32, #tpu.memory_space<hbm>> -> memref<50x128xi32, #tpu.memory_space<hbm>>
      %dma_start3A_727 = arith.constant 0 : i32
      %dma_start3A_728 = arith.constant 0 : i32
      %dma_start3A_729 = tpu.memref_slice %arg2[%add3A, %dma_start3A_727, %dma_start3A_728] : memref<32x50x128xi32, #tpu.memory_space<hbm>> -> memref<1x50x128xi32, #tpu.memory_space<hbm>>
      %dma_start3A_730 = tpu.memref_squeeze %dma_start3A_729 : memref<1x50x128xi32, #tpu.memory_space<hbm>> -> memref<50x128xi32, #tpu.memory_space<hbm>>
      tpu.enqueue_dma source(%dma_start3A_730 : memref<50x128xi32, #tpu.memory_space<hbm>>) target(%arg5 : memref<50x128xi32, #tpu.memory_space<vmem>>) target_semaphore(%run_scoped3A : memref<!tpu.dma_semaphore, #tpu.memory_space<semaphore_mem>>)
      %dma_wait3A_731 = arith.constant 0 : i32
      %dma_wait3A_732 = arith.constant 0 : i32
      %dma_wait3A_733 = tpu.memref_slice %arg2[%add3A, %dma_wait3A_731, %dma_wait3A_732] : memref<32x50x128xi32, #tpu.memory_space<hbm>> -> memref<1x50x128xi32, #tpu.memory_space<hbm>>
      %dma_wait3A_734 = tpu.memref_squeeze %dma_wait3A_733 : memref<1x50x128xi32, #tpu.memory_space<hbm>> -> memref<50x128xi32, #tpu.memory_space<hbm>>
      %dma_wait3A_735 = arith.constant 0 : i32
      %dma_wait3A_736 = arith.constant 0 : i32
      %dma_wait3A_737 = tpu.memref_slice %arg2[%add3A, %dma_wait3A_735, %dma_wait3A_736] : memref<32x50x128xi32, #tpu.memory_space<hbm>> -> memref<1x50x128xi32, #tpu.memory_space<hbm>>
      %dma_wait3A_738 = tpu.memref_squeeze %dma_wait3A_737 : memref<1x50x128xi32, #tpu.memory_space<hbm>> -> memref<50x128xi32, #tpu.memory_space<hbm>>
      tpu.wait_dma2 semaphore(%run_scoped3A : memref<!tpu.dma_semaphore, #tpu.memory_space<semaphore_mem>>) src(%dma_wait3A_738 : memref<50x128xi32, #tpu.memory_space<hbm>>) dst(%arg5 : memref<50x128xi32, #tpu.memory_space<vmem>>)
      tpu.yield
    }) : () -> ()
    %dma_start3A = arith.constant 0 : i32
    %dma_start3A_1 = arith.constant 0 : i32
    %dma_start3A_2 = arith.constant 0 : i32
    %dma_start3A_3 = arith.constant 0 : i32
    %dma_start3A_4 = arith.constant 0 : i32
    %dma_start3A_5 = tpu.memref_slice %arg6[%dma_start3A_1, %dma_start3A_3, %dma_start3A_4] : memref<5x128x128xf32, #tpu.memory_space<vmem>> -> memref<1x128x128xf32, #tpu.memory_space<vmem>>
    %dma_start3A_6 = tpu.memref_squeeze %dma_start3A_5 : memref<1x128x128xf32, #tpu.memory_space<vmem>> -> memref<128x128xf32, #tpu.memory_space<vmem>>
    %dma_start3A_7 = arith.constant 0 : i32
    %dma_start3A_8 = tpu.memref_slice %arg5[%dma_start3A, %dma_start3A_7] : memref<50x128xi32, #tpu.memory_space<vmem>> -> memref<1x128xi32, #tpu.memory_space<vmem>>
    %dma_start3A_9 = tpu.memref_squeeze %dma_start3A_8 : memref<1x128xi32, #tpu.memory_space<vmem>> -> memref<128xi32, #tpu.memory_space<vmem>>
    %dma_start3A_10 = arith.constant 0 : i32
    %dma_start3A_11 = arith.constant 0 : i32
    %dma_start3A_12 = tpu.memref_slice %arg3[%dma_start3A_10, %dma_start3A_11] : memref<100000x128xf32, #tpu.memory_space<hbm>> -> memref<100000x128xf32, #tpu.memory_space<hbm>>
    %dma_start3A_13 = tpu.memref_slice %arg7[%dma_start3A_2] : memref<5x!tpu.dma_semaphore, #tpu.memory_space<semaphore_mem>> -> memref<1x!tpu.dma_semaphore, #tpu.memory_space<semaphore_mem>>
    %dma_start3A_14 = tpu.memref_squeeze %dma_start3A_13 : memref<1x!tpu.dma_semaphore, #tpu.memory_space<semaphore_mem>> -> memref<!tpu.dma_semaphore, #tpu.memory_space<semaphore_mem>>
    tpu.enqueue_indirect_dma source(%dma_start3A_12 : memref<100000x128xf32, #tpu.memory_space<hbm>>) target(%dma_start3A_6 : memref<128x128xf32, #tpu.memory_space<vmem>>) offsets(%dma_start3A_9 : memref<128xi32, #tpu.memory_space<vmem>>) semaphore(%dma_start3A_14 : memref<!tpu.dma_semaphore, #tpu.memory_space<semaphore_mem>>)
    %dma_start3A_15 = arith.constant 1 : i32
    %dma_start3A_16 = arith.constant 1 : i32
    %dma_start3A_17 = arith.constant 1 : i32
    %dma_start3A_18 = arith.constant 0 : i32
    %dma_start3A_19 = arith.constant 0 : i32
    %dma_start3A_20 = tpu.memref_slice %arg6[%dma_start3A_16, %dma_start3A_18, %dma_start3A_19] : memref<5x128x128xf32, #tpu.memory_space<vmem>> -> memref<1x128x128xf32, #tpu.memory_space<vmem>>
    %dma_start3A_21 = tpu.memref_squeeze %dma_start3A_20 : memref<1x128x128xf32, #tpu.memory_space<vmem>> -> memref<128x128xf32, #tpu.memory_space<vmem>>
    %dma_start3A_22 = arith.constant 0 : i32
    %dma_start3A_23 = tpu.memref_slice %arg5[%dma_start3A_15, %dma_start3A_22] : memref<50x128xi32, #tpu.memory_space<vmem>> -> memref<1x128xi32, #tpu.memory_space<vmem>>
    %dma_start3A_24 = tpu.memref_squeeze %dma_start3A_23 : memref<1x128xi32, #tpu.memory_space<vmem>> -> memref<128xi32, #tpu.memory_space<vmem>>
    %dma_start3A_25 = arith.constant 0 : i32
    %dma_start3A_26 = arith.constant 0 : i32
    %dma_start3A_27 = tpu.memref_slice %arg3[%dma_start3A_25, %dma_start3A_26] : memref<100000x128xf32, #tpu.memory_space<hbm>> -> memref<100000x128xf32, #tpu.memory_space<hbm>>
    %dma_start3A_28 = tpu.memref_slice %arg7[%dma_start3A_17] : memref<5x!tpu.dma_semaphore, #tpu.memory_space<semaphore_mem>> -> memref<1x!tpu.dma_semaphore, #tpu.memory_space<semaphore_mem>>
    %dma_start3A_29 = tpu.memref_squeeze %dma_start3A_28 : memref<1x!tpu.dma_semaphore, #tpu.memory_space<semaphore_mem>> -> memref<!tpu.dma_semaphore, #tpu.memory_space<semaphore_mem>>
    tpu.enqueue_indirect_dma source(%dma_start3A_27 : memref<100000x128xf32, #tpu.memory_space<hbm>>) target(%dma_start3A_21 : memref<128x128xf32, #tpu.memory_space<vmem>>) offsets(%dma_start3A_24 : memref<128xi32, #tpu.memory_space<vmem>>) semaphore(%dma_start3A_29 : memref<!tpu.dma_semaphore, #tpu.memory_space<semaphore_mem>>)
    %dma_wait3A = arith.constant 0 : i32
    %dma_wait3A_30 = arith.constant 0 : i32
    %dma_wait3A_31 = arith.constant 0 : i32
    %dma_wait3A_32 = arith.constant 0 : i32
    %dma_wait3A_33 = arith.constant 0 : i32
    %dma_wait3A_34 = tpu.memref_slice %arg6[%dma_wait3A_30, %dma_wait3A_32, %dma_wait3A_33] : memref<5x128x128xf32, #tpu.memory_space<vmem>> -> memref<1x128x128xf32, #tpu.memory_space<vmem>>
    %dma_wait3A_35 = tpu.memref_squeeze %dma_wait3A_34 : memref<1x128x128xf32, #tpu.memory_space<vmem>> -> memref<128x128xf32, #tpu.memory_space<vmem>>
    %dma_wait3A_36 = arith.constant 0 : i32
    %dma_wait3A_37 = tpu.memref_slice %arg5[%dma_wait3A, %dma_wait3A_36] : memref<50x128xi32, #tpu.memory_space<vmem>> -> memref<1x128xi32, #tpu.memory_space<vmem>>
    %dma_wait3A_38 = tpu.memref_squeeze %dma_wait3A_37 : memref<1x128xi32, #tpu.memory_space<vmem>> -> memref<128xi32, #tpu.memory_space<vmem>>
    %dma_wait3A_39 = arith.constant 0 : i32
    %dma_wait3A_40 = arith.constant 0 : i32
    %dma_wait3A_41 = tpu.memref_slice %arg3[%dma_wait3A_39, %dma_wait3A_40] : memref<100000x128xf32, #tpu.memory_space<hbm>> -> memref<100000x128xf32, #tpu.memory_space<hbm>>
    %dma_wait3A_42 = tpu.memref_slice %arg7[%dma_wait3A_31] : memref<5x!tpu.dma_semaphore, #tpu.memory_space<semaphore_mem>> -> memref<1x!tpu.dma_semaphore, #tpu.memory_space<semaphore_mem>>
    %dma_wait3A_43 = tpu.memref_squeeze %dma_wait3A_42 : memref<1x!tpu.dma_semaphore, #tpu.memory_space<semaphore_mem>> -> memref<!tpu.dma_semaphore, #tpu.memory_space<semaphore_mem>>
    tpu.wait_indirect_dma semaphore(%dma_wait3A_43 : memref<!tpu.dma_semaphore, #tpu.memory_space<semaphore_mem>>) src(%dma_wait3A_41 : memref<100000x128xf32, #tpu.memory_space<hbm>>) dst(%dma_wait3A_35 : memref<128x128xf32, #tpu.memory_space<vmem>>)
    %dma_start3A_44 = arith.constant 0 : i32
    %dma_start3A_45 = arith.constant 0 : i32
    %dma_start3A_46 = arith.constant 0 : i32
    %dma_start3A_47 = arith.constant 0 : i32
    %dma_start3A_48 = arith.constant 0 : i32
    %dma_start3A_49 = tpu.memref_slice %arg6[%dma_start3A_44, %dma_start3A_47, %dma_start3A_48] : memref<5x128x128xf32, #tpu.memory_space<vmem>> -> memref<1x128x128xf32, #tpu.memory_space<vmem>>
    %dma_start3A_50 = tpu.memref_squeeze %dma_start3A_49 : memref<1x128x128xf32, #tpu.memory_space<vmem>> -> memref<128x128xf32, #tpu.memory_space<vmem>>
    %dma_start3A_51 = arith.constant 0 : i32
    %dma_start3A_52 = arith.constant 0 : i32
    %dma_start3A_53 = tpu.memref_slice %arg4[%add3A, %dma_start3A_45, %dma_start3A_51, %dma_start3A_52] : memref<32x50x128x128xf32, #tpu.memory_space<hbm>> -> memref<1x1x128x128xf32, #tpu.memory_space<hbm>>
    %dma_start3A_54 = tpu.memref_squeeze %dma_start3A_53 : memref<1x1x128x128xf32, #tpu.memory_space<hbm>> -> memref<128x128xf32, #tpu.memory_space<hbm>>
    %dma_start3A_55 = tpu.memref_slice %arg8[%dma_start3A_46] : memref<5x!tpu.dma_semaphore, #tpu.memory_space<semaphore_mem>> -> memref<1x!tpu.dma_semaphore, #tpu.memory_space<semaphore_mem>>
    %dma_start3A_56 = tpu.memref_squeeze %dma_start3A_55 : memref<1x!tpu.dma_semaphore, #tpu.memory_space<semaphore_mem>> -> memref<!tpu.dma_semaphore, #tpu.memory_space<semaphore_mem>>
    %dma_start3A_57 = arith.constant 0 : i32
    %dma_start3A_58 = arith.constant 0 : i32
    %dma_start3A_59 = tpu.memref_slice %arg4[%add3A, %dma_start3A_45, %dma_start3A_57, %dma_start3A_58] : memref<32x50x128x128xf32, #tpu.memory_space<hbm>> -> memref<1x1x128x128xf32, #tpu.memory_space<hbm>>
    %dma_start3A_60 = tpu.memref_squeeze %dma_start3A_59 : memref<1x1x128x128xf32, #tpu.memory_space<hbm>> -> memref<128x128xf32, #tpu.memory_space<hbm>>
    %dma_start3A_61 = arith.constant 0 : i32
    %dma_start3A_62 = arith.constant 0 : i32
    %dma_start3A_63 = tpu.memref_slice %arg6[%dma_start3A_44, %dma_start3A_61, %dma_start3A_62] : memref<5x128x128xf32, #tpu.memory_space<vmem>> -> memref<1x128x128xf32, #tpu.memory_space<vmem>>
    %dma_start3A_64 = tpu.memref_squeeze %dma_start3A_63 : memref<1x128x128xf32, #tpu.memory_space<vmem>> -> memref<128x128xf32, #tpu.memory_space<vmem>>
    tpu.enqueue_dma source(%dma_start3A_64 : memref<128x128xf32, #tpu.memory_space<vmem>>) target(%dma_start3A_60 : memref<128x128xf32, #tpu.memory_space<hbm>>) target_semaphore(%dma_start3A_56 : memref<!tpu.dma_semaphore, #tpu.memory_space<semaphore_mem>>)
    %dma_start3A_65 = arith.constant 2 : i32
    %dma_start3A_66 = arith.constant 2 : i32
    %dma_start3A_67 = arith.constant 2 : i32
    %dma_start3A_68 = arith.constant 0 : i32
    %dma_start3A_69 = arith.constant 0 : i32
    %dma_start3A_70 = tpu.memref_slice %arg6[%dma_start3A_66, %dma_start3A_68, %dma_start3A_69] : memref<5x128x128xf32, #tpu.memory_space<vmem>> -> memref<1x128x128xf32, #tpu.memory_space<vmem>>
    %dma_start3A_71 = tpu.memref_squeeze %dma_start3A_70 : memref<1x128x128xf32, #tpu.memory_space<vmem>> -> memref<128x128xf32, #tpu.memory_space<vmem>>
    %dma_start3A_72 = arith.constant 0 : i32
    %dma_start3A_73 = tpu.memref_slice %arg5[%dma_start3A_65, %dma_start3A_72] : memref<50x128xi32, #tpu.memory_space<vmem>> -> memref<1x128xi32, #tpu.memory_space<vmem>>
    %dma_start3A_74 = tpu.memref_squeeze %dma_start3A_73 : memref<1x128xi32, #tpu.memory_space<vmem>> -> memref<128xi32, #tpu.memory_space<vmem>>
    %dma_start3A_75 = arith.constant 0 : i32
    %dma_start3A_76 = arith.constant 0 : i32
    %dma_start3A_77 = tpu.memref_slice %arg3[%dma_start3A_75, %dma_start3A_76] : memref<100000x128xf32, #tpu.memory_space<hbm>> -> memref<100000x128xf32, #tpu.memory_space<hbm>>
    %dma_start3A_78 = tpu.memref_slice %arg7[%dma_start3A_67] : memref<5x!tpu.dma_semaphore, #tpu.memory_space<semaphore_mem>> -> memref<1x!tpu.dma_semaphore, #tpu.memory_space<semaphore_mem>>
    %dma_start3A_79 = tpu.memref_squeeze %dma_start3A_78 : memref<1x!tpu.dma_semaphore, #tpu.memory_space<semaphore_mem>> -> memref<!tpu.dma_semaphore, #tpu.memory_space<semaphore_mem>>
    tpu.enqueue_indirect_dma source(%dma_start3A_77 : memref<100000x128xf32, #tpu.memory_space<hbm>>) target(%dma_start3A_71 : memref<128x128xf32, #tpu.memory_space<vmem>>) offsets(%dma_start3A_74 : memref<128xi32, #tpu.memory_space<vmem>>) semaphore(%dma_start3A_79 : memref<!tpu.dma_semaphore, #tpu.memory_space<semaphore_mem>>)
    %dma_wait3A_80 = arith.constant 1 : i32
    %dma_wait3A_81 = arith.constant 1 : i32
    %dma_wait3A_82 = arith.constant 1 : i32
    %dma_wait3A_83 = arith.constant 0 : i32
    %dma_wait3A_84 = arith.constant 0 : i32
    %dma_wait3A_85 = tpu.memref_slice %arg6[%dma_wait3A_81, %dma_wait3A_83, %dma_wait3A_84] : memref<5x128x128xf32, #tpu.memory_space<vmem>> -> memref<1x128x128xf32, #tpu.memory_space<vmem>>
    %dma_wait3A_86 = tpu.memref_squeeze %dma_wait3A_85 : memref<1x128x128xf32, #tpu.memory_space<vmem>> -> memref<128x128xf32, #tpu.memory_space<vmem>>
    %dma_wait3A_87 = arith.constant 0 : i32
    %dma_wait3A_88 = tpu.memref_slice %arg5[%dma_wait3A_80, %dma_wait3A_87] : memref<50x128xi32, #tpu.memory_space<vmem>> -> memref<1x128xi32, #tpu.memory_space<vmem>>
    %dma_wait3A_89 = tpu.memref_squeeze %dma_wait3A_88 : memref<1x128xi32, #tpu.memory_space<vmem>> -> memref<128xi32, #tpu.memory_space<vmem>>
    %dma_wait3A_90 = arith.constant 0 : i32
    %dma_wait3A_91 = arith.constant 0 : i32
    %dma_wait3A_92 = tpu.memref_slice %arg3[%dma_wait3A_90, %dma_wait3A_91] : memref<100000x128xf32, #tpu.memory_space<hbm>> -> memref<100000x128xf32, #tpu.memory_space<hbm>>
    %dma_wait3A_93 = tpu.memref_slice %arg7[%dma_wait3A_82] : memref<5x!tpu.dma_semaphore, #tpu.memory_space<semaphore_mem>> -> memref<1x!tpu.dma_semaphore, #tpu.memory_space<semaphore_mem>>
    %dma_wait3A_94 = tpu.memref_squeeze %dma_wait3A_93 : memref<1x!tpu.dma_semaphore, #tpu.memory_space<semaphore_mem>> -> memref<!tpu.dma_semaphore, #tpu.memory_space<semaphore_mem>>
    tpu.wait_indirect_dma semaphore(%dma_wait3A_94 : memref<!tpu.dma_semaphore, #tpu.memory_space<semaphore_mem>>) src(%dma_wait3A_92 : memref<100000x128xf32, #tpu.memory_space<hbm>>) dst(%dma_wait3A_86 : memref<128x128xf32, #tpu.memory_space<vmem>>)
    %dma_start3A_95 = arith.constant 1 : i32
    %dma_start3A_96 = arith.constant 1 : i32
    %dma_start3A_97 = arith.constant 1 : i32
    %dma_start3A_98 = arith.constant 0 : i32
    %dma_start3A_99 = arith.constant 0 : i32
    %dma_start3A_100 = tpu.memref_slice %arg6[%dma_start3A_95, %dma_start3A_98, %dma_start3A_99] : memref<5x128x128xf32, #tpu.memory_space<vmem>> -> memref<1x128x128xf32, #tpu.memory_space<vmem>>
    %dma_start3A_101 = tpu.memref_squeeze %dma_start3A_100 : memref<1x128x128xf32, #tpu.memory_space<vmem>> -> memref<128x128xf32, #tpu.memory_space<vmem>>
    %dma_start3A_102 = arith.constant 0 : i32
    %dma_start3A_103 = arith.constant 0 : i32
    %dma_start3A_104 = tpu.memref_slice %arg4[%add3A, %dma_start3A_96, %dma_start3A_102, %dma_start3A_103] : memref<32x50x128x128xf32, #tpu.memory_space<hbm>> -> memref<1x1x128x128xf32, #tpu.memory_space<hbm>>
    %dma_start3A_105 = tpu.memref_squeeze %dma_start3A_104 : memref<1x1x128x128xf32, #tpu.memory_space<hbm>> -> memref<128x128xf32, #tpu.memory_space<hbm>>
    %dma_start3A_106 = tpu.memref_slice %arg8[%dma_start3A_97] : memref<5x!tpu.dma_semaphore, #tpu.memory_space<semaphore_mem>> -> memref<1x!tpu.dma_semaphore, #tpu.memory_space<semaphore_mem>>
    %dma_start3A_107 = tpu.memref_squeeze %dma_start3A_106 : memref<1x!tpu.dma_semaphore, #tpu.memory_space<semaphore_mem>> -> memref<!tpu.dma_semaphore, #tpu.memory_space<semaphore_mem>>
    %dma_start3A_108 = arith.constant 0 : i32
    %dma_start3A_109 = arith.constant 0 : i32
    %dma_start3A_110 = tpu.memref_slice %arg4[%add3A, %dma_start3A_96, %dma_start3A_108, %dma_start3A_109] : memref<32x50x128x128xf32, #tpu.memory_space<hbm>> -> memref<1x1x128x128xf32, #tpu.memory_space<hbm>>
    %dma_start3A_111 = tpu.memref_squeeze %dma_start3A_110 : memref<1x1x128x128xf32, #tpu.memory_space<hbm>> -> memref<128x128xf32, #tpu.memory_space<hbm>>
    %dma_start3A_112 = arith.constant 0 : i32
    %dma_start3A_113 = arith.constant 0 : i32
    %dma_start3A_114 = tpu.memref_slice %arg6[%dma_start3A_95, %dma_start3A_112, %dma_start3A_113] : memref<5x128x128xf32, #tpu.memory_space<vmem>> -> memref<1x128x128xf32, #tpu.memory_space<vmem>>
    %dma_start3A_115 = tpu.memref_squeeze %dma_start3A_114 : memref<1x128x128xf32, #tpu.memory_space<vmem>> -> memref<128x128xf32, #tpu.memory_space<vmem>>
    tpu.enqueue_dma source(%dma_start3A_115 : memref<128x128xf32, #tpu.memory_space<vmem>>) target(%dma_start3A_111 : memref<128x128xf32, #tpu.memory_space<hbm>>) target_semaphore(%dma_start3A_107 : memref<!tpu.dma_semaphore, #tpu.memory_space<semaphore_mem>>)
    %dma_start3A_116 = arith.constant 3 : i32
    %dma_start3A_117 = arith.constant 3 : i32
    %dma_start3A_118 = arith.constant 3 : i32
    %dma_start3A_119 = arith.constant 0 : i32
    %dma_start3A_120 = arith.constant 0 : i32
    %dma_start3A_121 = tpu.memref_slice %arg6[%dma_start3A_117, %dma_start3A_119, %dma_start3A_120] : memref<5x128x128xf32, #tpu.memory_space<vmem>> -> memref<1x128x128xf32, #tpu.memory_space<vmem>>
    %dma_start3A_122 = tpu.memref_squeeze %dma_start3A_121 : memref<1x128x128xf32, #tpu.memory_space<vmem>> -> memref<128x128xf32, #tpu.memory_space<vmem>>
    %dma_start3A_123 = arith.constant 0 : i32
    %dma_start3A_124 = tpu.memref_slice %arg5[%dma_start3A_116, %dma_start3A_123] : memref<50x128xi32, #tpu.memory_space<vmem>> -> memref<1x128xi32, #tpu.memory_space<vmem>>
    %dma_start3A_125 = tpu.memref_squeeze %dma_start3A_124 : memref<1x128xi32, #tpu.memory_space<vmem>> -> memref<128xi32, #tpu.memory_space<vmem>>
    %dma_start3A_126 = arith.constant 0 : i32
    %dma_start3A_127 = arith.constant 0 : i32
    %dma_start3A_128 = tpu.memref_slice %arg3[%dma_start3A_126, %dma_start3A_127] : memref<100000x128xf32, #tpu.memory_space<hbm>> -> memref<100000x128xf32, #tpu.memory_space<hbm>>
    %dma_start3A_129 = tpu.memref_slice %arg7[%dma_start3A_118] : memref<5x!tpu.dma_semaphore, #tpu.memory_space<semaphore_mem>> -> memref<1x!tpu.dma_semaphore, #tpu.memory_space<semaphore_mem>>
    %dma_start3A_130 = tpu.memref_squeeze %dma_start3A_129 : memref<1x!tpu.dma_semaphore, #tpu.memory_space<semaphore_mem>> -> memref<!tpu.dma_semaphore, #tpu.memory_space<semaphore_mem>>
    tpu.enqueue_indirect_dma source(%dma_start3A_128 : memref<100000x128xf32, #tpu.memory_space<hbm>>) target(%dma_start3A_122 : memref<128x128xf32, #tpu.memory_space<vmem>>) offsets(%dma_start3A_125 : memref<128xi32, #tpu.memory_space<vmem>>) semaphore(%dma_start3A_130 : memref<!tpu.dma_semaphore, #tpu.memory_space<semaphore_mem>>)
    %dma_wait3A_131 = arith.constant 2 : i32
    %dma_wait3A_132 = arith.constant 2 : i32
    %dma_wait3A_133 = arith.constant 2 : i32
    %dma_wait3A_134 = arith.constant 0 : i32
    %dma_wait3A_135 = arith.constant 0 : i32
    %dma_wait3A_136 = tpu.memref_slice %arg6[%dma_wait3A_132, %dma_wait3A_134, %dma_wait3A_135] : memref<5x128x128xf32, #tpu.memory_space<vmem>> -> memref<1x128x128xf32, #tpu.memory_space<vmem>>
    %dma_wait3A_137 = tpu.memref_squeeze %dma_wait3A_136 : memref<1x128x128xf32, #tpu.memory_space<vmem>> -> memref<128x128xf32, #tpu.memory_space<vmem>>
    %dma_wait3A_138 = arith.constant 0 : i32
    %dma_wait3A_139 = tpu.memref_slice %arg5[%dma_wait3A_131, %dma_wait3A_138] : memref<50x128xi32, #tpu.memory_space<vmem>> -> memref<1x128xi32, #tpu.memory_space<vmem>>
    %dma_wait3A_140 = tpu.memref_squeeze %dma_wait3A_139 : memref<1x128xi32, #tpu.memory_space<vmem>> -> memref<128xi32, #tpu.memory_space<vmem>>
    %dma_wait3A_141 = arith.constant 0 : i32
    %dma_wait3A_142 = arith.constant 0 : i32
    %dma_wait3A_143 = tpu.memref_slice %arg3[%dma_wait3A_141, %dma_wait3A_142] : memref<100000x128xf32, #tpu.memory_space<hbm>> -> memref<100000x128xf32, #tpu.memory_space<hbm>>
    %dma_wait3A_144 = tpu.memref_slice %arg7[%dma_wait3A_133] : memref<5x!tpu.dma_semaphore, #tpu.memory_space<semaphore_mem>> -> memref<1x!tpu.dma_semaphore, #tpu.memory_space<semaphore_mem>>
    %dma_wait3A_145 = tpu.memref_squeeze %dma_wait3A_144 : memref<1x!tpu.dma_semaphore, #tpu.memory_space<semaphore_mem>> -> memref<!tpu.dma_semaphore, #tpu.memory_space<semaphore_mem>>
    tpu.wait_indirect_dma semaphore(%dma_wait3A_145 : memref<!tpu.dma_semaphore, #tpu.memory_space<semaphore_mem>>) src(%dma_wait3A_143 : memref<100000x128xf32, #tpu.memory_space<hbm>>) dst(%dma_wait3A_137 : memref<128x128xf32, #tpu.memory_space<vmem>>)
    %dma_start3A_146 = arith.constant 2 : i32
    %dma_start3A_147 = arith.constant 2 : i32
    %dma_start3A_148 = arith.constant 2 : i32
    %dma_start3A_149 = arith.constant 0 : i32
    %dma_start3A_150 = arith.constant 0 : i32
    %dma_start3A_151 = tpu.memref_slice %arg6[%dma_start3A_146, %dma_start3A_149, %dma_start3A_150] : memref<5x128x128xf32, #tpu.memory_space<vmem>> -> memref<1x128x128xf32, #tpu.memory_space<vmem>>
    %dma_start3A_152 = tpu.memref_squeeze %dma_start3A_151 : memref<1x128x128xf32, #tpu.memory_space<vmem>> -> memref<128x128xf32, #tpu.memory_space<vmem>>
    %dma_start3A_153 = arith.constant 0 : i32
    %dma_start3A_154 = arith.constant 0 : i32
    %dma_start3A_155 = tpu.memref_slice %arg4[%add3A, %dma_start3A_147, %dma_start3A_153, %dma_start3A_154] : memref<32x50x128x128xf32, #tpu.memory_space<hbm>> -> memref<1x1x128x128xf32, #tpu.memory_space<hbm>>
    %dma_start3A_156 = tpu.memref_squeeze %dma_start3A_155 : memref<1x1x128x128xf32, #tpu.memory_space<hbm>> -> memref<128x128xf32, #tpu.memory_space<hbm>>
    %dma_start3A_157 = tpu.memref_slice %arg8[%dma_start3A_148] : memref<5x!tpu.dma_semaphore, #tpu.memory_space<semaphore_mem>> -> memref<1x!tpu.dma_semaphore, #tpu.memory_space<semaphore_mem>>
    %dma_start3A_158 = tpu.memref_squeeze %dma_start3A_157 : memref<1x!tpu.dma_semaphore, #tpu.memory_space<semaphore_mem>> -> memref<!tpu.dma_semaphore, #tpu.memory_space<semaphore_mem>>
    %dma_start3A_159 = arith.constant 0 : i32
    %dma_start3A_160 = arith.constant 0 : i32
    %dma_start3A_161 = tpu.memref_slice %arg4[%add3A, %dma_start3A_147, %dma_start3A_159, %dma_start3A_160] : memref<32x50x128x128xf32, #tpu.memory_space<hbm>> -> memref<1x1x128x128xf32, #tpu.memory_space<hbm>>
    %dma_start3A_162 = tpu.memref_squeeze %dma_start3A_161 : memref<1x1x128x128xf32, #tpu.memory_space<hbm>> -> memref<128x128xf32, #tpu.memory_space<hbm>>
    %dma_start3A_163 = arith.constant 0 : i32
    %dma_start3A_164 = arith.constant 0 : i32
    %dma_start3A_165 = tpu.memref_slice %arg6[%dma_start3A_146, %dma_start3A_163, %dma_start3A_164] : memref<5x128x128xf32, #tpu.memory_space<vmem>> -> memref<1x128x128xf32, #tpu.memory_space<vmem>>
    %dma_start3A_166 = tpu.memref_squeeze %dma_start3A_165 : memref<1x128x128xf32, #tpu.memory_space<vmem>> -> memref<128x128xf32, #tpu.memory_space<vmem>>
    tpu.enqueue_dma source(%dma_start3A_166 : memref<128x128xf32, #tpu.memory_space<vmem>>) target(%dma_start3A_162 : memref<128x128xf32, #tpu.memory_space<hbm>>) target_semaphore(%dma_start3A_158 : memref<!tpu.dma_semaphore, #tpu.memory_space<semaphore_mem>>)
    %dma_start3A_167 = arith.constant 4 : i32
    %dma_start3A_168 = arith.constant 4 : i32
    %dma_start3A_169 = arith.constant 4 : i32
    %dma_start3A_170 = arith.constant 0 : i32
    %dma_start3A_171 = arith.constant 0 : i32
    %dma_start3A_172 = tpu.memref_slice %arg6[%dma_start3A_168, %dma_start3A_170, %dma_start3A_171] : memref<5x128x128xf32, #tpu.memory_space<vmem>> -> memref<1x128x128xf32, #tpu.memory_space<vmem>>
    %dma_start3A_173 = tpu.memref_squeeze %dma_start3A_172 : memref<1x128x128xf32, #tpu.memory_space<vmem>> -> memref<128x128xf32, #tpu.memory_space<vmem>>
    %dma_start3A_174 = arith.constant 0 : i32
    %dma_start3A_175 = tpu.memref_slice %arg5[%dma_start3A_167, %dma_start3A_174] : memref<50x128xi32, #tpu.memory_space<vmem>> -> memref<1x128xi32, #tpu.memory_space<vmem>>
    %dma_start3A_176 = tpu.memref_squeeze %dma_start3A_175 : memref<1x128xi32, #tpu.memory_space<vmem>> -> memref<128xi32, #tpu.memory_space<vmem>>
    %dma_start3A_177 = arith.constant 0 : i32
    %dma_start3A_178 = arith.constant 0 : i32
    %dma_start3A_179 = tpu.memref_slice %arg3[%dma_start3A_177, %dma_start3A_178] : memref<100000x128xf32, #tpu.memory_space<hbm>> -> memref<100000x128xf32, #tpu.memory_space<hbm>>
    %dma_start3A_180 = tpu.memref_slice %arg7[%dma_start3A_169] : memref<5x!tpu.dma_semaphore, #tpu.memory_space<semaphore_mem>> -> memref<1x!tpu.dma_semaphore, #tpu.memory_space<semaphore_mem>>
    %dma_start3A_181 = tpu.memref_squeeze %dma_start3A_180 : memref<1x!tpu.dma_semaphore, #tpu.memory_space<semaphore_mem>> -> memref<!tpu.dma_semaphore, #tpu.memory_space<semaphore_mem>>
    tpu.enqueue_indirect_dma source(%dma_start3A_179 : memref<100000x128xf32, #tpu.memory_space<hbm>>) target(%dma_start3A_173 : memref<128x128xf32, #tpu.memory_space<vmem>>) offsets(%dma_start3A_176 : memref<128xi32, #tpu.memory_space<vmem>>) semaphore(%dma_start3A_181 : memref<!tpu.dma_semaphore, #tpu.memory_space<semaphore_mem>>)
    %dma_wait3A_182 = arith.constant 3 : i32
    %dma_wait3A_183 = arith.constant 3 : i32
    %dma_wait3A_184 = arith.constant 3 : i32
    %dma_wait3A_185 = arith.constant 0 : i32
    %dma_wait3A_186 = arith.constant 0 : i32
    %dma_wait3A_187 = tpu.memref_slice %arg6[%dma_wait3A_183, %dma_wait3A_185, %dma_wait3A_186] : memref<5x128x128xf32, #tpu.memory_space<vmem>> -> memref<1x128x128xf32, #tpu.memory_space<vmem>>
    %dma_wait3A_188 = tpu.memref_squeeze %dma_wait3A_187 : memref<1x128x128xf32, #tpu.memory_space<vmem>> -> memref<128x128xf32, #tpu.memory_space<vmem>>
    %dma_wait3A_189 = arith.constant 0 : i32
    %dma_wait3A_190 = tpu.memref_slice %arg5[%dma_wait3A_182, %dma_wait3A_189] : memref<50x128xi32, #tpu.memory_space<vmem>> -> memref<1x128xi32, #tpu.memory_space<vmem>>
    %dma_wait3A_191 = tpu.memref_squeeze %dma_wait3A_190 : memref<1x128xi32, #tpu.memory_space<vmem>> -> memref<128xi32, #tpu.memory_space<vmem>>
    %dma_wait3A_192 = arith.constant 0 : i32
    %dma_wait3A_193 = arith.constant 0 : i32
    %dma_wait3A_194 = tpu.memref_slice %arg3[%dma_wait3A_192, %dma_wait3A_193] : memref<100000x128xf32, #tpu.memory_space<hbm>> -> memref<100000x128xf32, #tpu.memory_space<hbm>>
    %dma_wait3A_195 = tpu.memref_slice %arg7[%dma_wait3A_184] : memref<5x!tpu.dma_semaphore, #tpu.memory_space<semaphore_mem>> -> memref<1x!tpu.dma_semaphore, #tpu.memory_space<semaphore_mem>>
    %dma_wait3A_196 = tpu.memref_squeeze %dma_wait3A_195 : memref<1x!tpu.dma_semaphore, #tpu.memory_space<semaphore_mem>> -> memref<!tpu.dma_semaphore, #tpu.memory_space<semaphore_mem>>
    tpu.wait_indirect_dma semaphore(%dma_wait3A_196 : memref<!tpu.dma_semaphore, #tpu.memory_space<semaphore_mem>>) src(%dma_wait3A_194 : memref<100000x128xf32, #tpu.memory_space<hbm>>) dst(%dma_wait3A_188 : memref<128x128xf32, #tpu.memory_space<vmem>>)
    %dma_start3A_197 = arith.constant 3 : i32
    %dma_start3A_198 = arith.constant 3 : i32
    %dma_start3A_199 = arith.constant 3 : i32
    %dma_start3A_200 = arith.constant 0 : i32
    %dma_start3A_201 = arith.constant 0 : i32
    %dma_start3A_202 = tpu.memref_slice %arg6[%dma_start3A_197, %dma_start3A_200, %dma_start3A_201] : memref<5x128x128xf32, #tpu.memory_space<vmem>> -> memref<1x128x128xf32, #tpu.memory_space<vmem>>
    %dma_start3A_203 = tpu.memref_squeeze %dma_start3A_202 : memref<1x128x128xf32, #tpu.memory_space<vmem>> -> memref<128x128xf32, #tpu.memory_space<vmem>>
    %dma_start3A_204 = arith.constant 0 : i32
    %dma_start3A_205 = arith.constant 0 : i32
    %dma_start3A_206 = tpu.memref_slice %arg4[%add3A, %dma_start3A_198, %dma_start3A_204, %dma_start3A_205] : memref<32x50x128x128xf32, #tpu.memory_space<hbm>> -> memref<1x1x128x128xf32, #tpu.memory_space<hbm>>
    %dma_start3A_207 = tpu.memref_squeeze %dma_start3A_206 : memref<1x1x128x128xf32, #tpu.memory_space<hbm>> -> memref<128x128xf32, #tpu.memory_space<hbm>>
    %dma_start3A_208 = tpu.memref_slice %arg8[%dma_start3A_199] : memref<5x!tpu.dma_semaphore, #tpu.memory_space<semaphore_mem>> -> memref<1x!tpu.dma_semaphore, #tpu.memory_space<semaphore_mem>>
    %dma_start3A_209 = tpu.memref_squeeze %dma_start3A_208 : memref<1x!tpu.dma_semaphore, #tpu.memory_space<semaphore_mem>> -> memref<!tpu.dma_semaphore, #tpu.memory_space<semaphore_mem>>
    %dma_start3A_210 = arith.constant 0 : i32
    %dma_start3A_211 = arith.constant 0 : i32
    %dma_start3A_212 = tpu.memref_slice %arg4[%add3A, %dma_start3A_198, %dma_start3A_210, %dma_start3A_211] : memref<32x50x128x128xf32, #tpu.memory_space<hbm>> -> memref<1x1x128x128xf32, #tpu.memory_space<hbm>>
    %dma_start3A_213 = tpu.memref_squeeze %dma_start3A_212 : memref<1x1x128x128xf32, #tpu.memory_space<hbm>> -> memref<128x128xf32, #tpu.memory_space<hbm>>
    %dma_start3A_214 = arith.constant 0 : i32
    %dma_start3A_215 = arith.constant 0 : i32
    %dma_start3A_216 = tpu.memref_slice %arg6[%dma_start3A_197, %dma_start3A_214, %dma_start3A_215] : memref<5x128x128xf32, #tpu.memory_space<vmem>> -> memref<1x128x128xf32, #tpu.memory_space<vmem>>
    %dma_start3A_217 = tpu.memref_squeeze %dma_start3A_216 : memref<1x128x128xf32, #tpu.memory_space<vmem>> -> memref<128x128xf32, #tpu.memory_space<vmem>>
    tpu.enqueue_dma source(%dma_start3A_217 : memref<128x128xf32, #tpu.memory_space<vmem>>) target(%dma_start3A_213 : memref<128x128xf32, #tpu.memory_space<hbm>>) target_semaphore(%dma_start3A_209 : memref<!tpu.dma_semaphore, #tpu.memory_space<semaphore_mem>>)
    %dma_wait3A_218 = arith.constant 0 : i32
    %dma_wait3A_219 = arith.constant 0 : i32
    %dma_wait3A_220 = arith.constant 0 : i32
    %dma_wait3A_221 = arith.constant 0 : i32
    %dma_wait3A_222 = arith.constant 0 : i32
    %dma_wait3A_223 = tpu.memref_slice %arg6[%dma_wait3A_218, %dma_wait3A_221, %dma_wait3A_222] : memref<5x128x128xf32, #tpu.memory_space<vmem>> -> memref<1x128x128xf32, #tpu.memory_space<vmem>>
    %dma_wait3A_224 = tpu.memref_squeeze %dma_wait3A_223 : memref<1x128x128xf32, #tpu.memory_space<vmem>> -> memref<128x128xf32, #tpu.memory_space<vmem>>
    %dma_wait3A_225 = arith.constant 0 : i32
    %dma_wait3A_226 = arith.constant 0 : i32
    %dma_wait3A_227 = tpu.memref_slice %arg4[%add3A, %dma_wait3A_219, %dma_wait3A_225, %dma_wait3A_226] : memref<32x50x128x128xf32, #tpu.memory_space<hbm>> -> memref<1x1x128x128xf32, #tpu.memory_space<hbm>>
    %dma_wait3A_228 = tpu.memref_squeeze %dma_wait3A_227 : memref<1x1x128x128xf32, #tpu.memory_space<hbm>> -> memref<128x128xf32, #tpu.memory_space<hbm>>
    %dma_wait3A_229 = tpu.memref_slice %arg8[%dma_wait3A_220] : memref<5x!tpu.dma_semaphore, #tpu.memory_space<semaphore_mem>> -> memref<1x!tpu.dma_semaphore, #tpu.memory_space<semaphore_mem>>
    %dma_wait3A_230 = tpu.memref_squeeze %dma_wait3A_229 : memref<1x!tpu.dma_semaphore, #tpu.memory_space<semaphore_mem>> -> memref<!tpu.dma_semaphore, #tpu.memory_space<semaphore_mem>>
    %dma_wait3A_231 = arith.constant 0 : i32
    %dma_wait3A_232 = arith.constant 0 : i32
    %dma_wait3A_233 = tpu.memref_slice %arg4[%add3A, %dma_wait3A_219, %dma_wait3A_231, %dma_wait3A_232] : memref<32x50x128x128xf32, #tpu.memory_space<hbm>> -> memref<1x1x128x128xf32, #tpu.memory_space<hbm>>
    %dma_wait3A_234 = tpu.memref_squeeze %dma_wait3A_233 : memref<1x1x128x128xf32, #tpu.memory_space<hbm>> -> memref<128x128xf32, #tpu.memory_space<hbm>>
    %dma_wait3A_235 = arith.constant 0 : i32
    %dma_wait3A_236 = arith.constant 0 : i32
    %dma_wait3A_237 = tpu.memref_slice %arg6[%dma_wait3A_218, %dma_wait3A_235, %dma_wait3A_236] : memref<5x128x128xf32, #tpu.memory_space<vmem>> -> memref<1x128x128xf32, #tpu.memory_space<vmem>>
    %dma_wait3A_238 = tpu.memref_squeeze %dma_wait3A_237 : memref<1x128x128xf32, #tpu.memory_space<vmem>> -> memref<128x128xf32, #tpu.memory_space<vmem>>
    tpu.wait_dma2 semaphore(%dma_wait3A_230 : memref<!tpu.dma_semaphore, #tpu.memory_space<semaphore_mem>>) src(%dma_wait3A_238 : memref<128x128xf32, #tpu.memory_space<vmem>>) dst(%dma_wait3A_234 : memref<128x128xf32, #tpu.memory_space<hbm>>)
    %dma_start3A_239 = arith.constant 5 : i32
    %dma_start3A_240 = arith.constant 0 : i32
    %dma_start3A_241 = arith.constant 0 : i32
    %dma_start3A_242 = arith.constant 0 : i32
    %dma_start3A_243 = arith.constant 0 : i32
    %dma_start3A_244 = tpu.memref_slice %arg6[%dma_start3A_240, %dma_start3A_242, %dma_start3A_243] : memref<5x128x128xf32, #tpu.memory_space<vmem>> -> memref<1x128x128xf32, #tpu.memory_space<vmem>>
    %dma_start3A_245 = tpu.memref_squeeze %dma_start3A_244 : memref<1x128x128xf32, #tpu.memory_space<vmem>> -> memref<128x128xf32, #tpu.memory_space<vmem>>
    %dma_start3A_246 = arith.constant 0 : i32
    %dma_start3A_247 = tpu.memref_slice %arg5[%dma_start3A_239, %dma_start3A_246] : memref<50x128xi32, #tpu.memory_space<vmem>> -> memref<1x128xi32, #tpu.memory_space<vmem>>
    %dma_start3A_248 = tpu.memref_squeeze %dma_start3A_247 : memref<1x128xi32, #tpu.memory_space<vmem>> -> memref<128xi32, #tpu.memory_space<vmem>>
    %dma_start3A_249 = arith.constant 0 : i32
    %dma_start3A_250 = arith.constant 0 : i32
    %dma_start3A_251 = tpu.memref_slice %arg3[%dma_start3A_249, %dma_start3A_250] : memref<100000x128xf32, #tpu.memory_space<hbm>> -> memref<100000x128xf32, #tpu.memory_space<hbm>>
    %dma_start3A_252 = tpu.memref_slice %arg7[%dma_start3A_241] : memref<5x!tpu.dma_semaphore, #tpu.memory_space<semaphore_mem>> -> memref<1x!tpu.dma_semaphore, #tpu.memory_space<semaphore_mem>>
    %dma_start3A_253 = tpu.memref_squeeze %dma_start3A_252 : memref<1x!tpu.dma_semaphore, #tpu.memory_space<semaphore_mem>> -> memref<!tpu.dma_semaphore, #tpu.memory_space<semaphore_mem>>
    tpu.enqueue_indirect_dma source(%dma_start3A_251 : memref<100000x128xf32, #tpu.memory_space<hbm>>) target(%dma_start3A_245 : memref<128x128xf32, #tpu.memory_space<vmem>>) offsets(%dma_start3A_248 : memref<128xi32, #tpu.memory_space<vmem>>) semaphore(%dma_start3A_253 : memref<!tpu.dma_semaphore, #tpu.memory_space<semaphore_mem>>)
    %dma_wait3A_254 = arith.constant 4 : i32
    %dma_wait3A_255 = arith.constant 4 : i32
    %dma_wait3A_256 = arith.constant 4 : i32
    %dma_wait3A_257 = arith.constant 0 : i32
    %dma_wait3A_258 = arith.constant 0 : i32
    %dma_wait3A_259 = tpu.memref_slice %arg6[%dma_wait3A_255, %dma_wait3A_257, %dma_wait3A_258] : memref<5x128x128xf32, #tpu.memory_space<vmem>> -> memref<1x128x128xf32, #tpu.memory_space<vmem>>
    %dma_wait3A_260 = tpu.memref_squeeze %dma_wait3A_259 : memref<1x128x128xf32, #tpu.memory_space<vmem>> -> memref<128x128xf32, #tpu.memory_space<vmem>>
    %dma_wait3A_261 = arith.constant 0 : i32
    %dma_wait3A_262 = tpu.memref_slice %arg5[%dma_wait3A_254, %dma_wait3A_261] : memref<50x128xi32, #tpu.memory_space<vmem>> -> memref<1x128xi32, #tpu.memory_space<vmem>>
    %dma_wait3A_263 = tpu.memref_squeeze %dma_wait3A_262 : memref<1x128xi32, #tpu.memory_space<vmem>> -> memref<128xi32, #tpu.memory_space<vmem>>
    %dma_wait3A_264 = arith.constant 0 : i32
    %dma_wait3A_265 = arith.constant 0 : i32
    %dma_wait3A_266 = tpu.memref_slice %arg3[%dma_wait3A_264, %dma_wait3A_265] : memref<100000x128xf32, #tpu.memory_space<hbm>> -> memref<100000x128xf32, #tpu.memory_space<hbm>>
    %dma_wait3A_267 = tpu.memref_slice %arg7[%dma_wait3A_256] : memref<5x!tpu.dma_semaphore, #tpu.memory_space<semaphore_mem>> -> memref<1x!tpu.dma_semaphore, #tpu.memory_space<semaphore_mem>>
    %dma_wait3A_268 = tpu.memref_squeeze %dma_wait3A_267 : memref<1x!tpu.dma_semaphore, #tpu.memory_space<semaphore_mem>> -> memref<!tpu.dma_semaphore, #tpu.memory_space<semaphore_mem>>
    tpu.wait_indirect_dma semaphore(%dma_wait3A_268 : memref<!tpu.dma_semaphore, #tpu.memory_space<semaphore_mem>>) src(%dma_wait3A_266 : memref<100000x128xf32, #tpu.memory_space<hbm>>) dst(%dma_wait3A_260 : memref<128x128xf32, #tpu.memory_space<vmem>>)
    %dma_start3A_269 = arith.constant 4 : i32
    %dma_start3A_270 = arith.constant 4 : i32
    %dma_start3A_271 = arith.constant 4 : i32
    %dma_start3A_272 = arith.constant 0 : i32
    %dma_start3A_273 = arith.constant 0 : i32
    %dma_start3A_274 = tpu.memref_slice %arg6[%dma_start3A_269, %dma_start3A_272, %dma_start3A_273] : memref<5x128x128xf32, #tpu.memory_space<vmem>> -> memref<1x128x128xf32, #tpu.memory_space<vmem>>
    %dma_start3A_275 = tpu.memref_squeeze %dma_start3A_274 : memref<1x128x128xf32, #tpu.memory_space<vmem>> -> memref<128x128xf32, #tpu.memory_space<vmem>>
    %dma_start3A_276 = arith.constant 0 : i32
    %dma_start3A_277 = arith.constant 0 : i32
    %dma_start3A_278 = tpu.memref_slice %arg4[%add3A, %dma_start3A_270, %dma_start3A_276, %dma_start3A_277] : memref<32x50x128x128xf32, #tpu.memory_space<hbm>> -> memref<1x1x128x128xf32, #tpu.memory_space<hbm>>
    %dma_start3A_279 = tpu.memref_squeeze %dma_start3A_278 : memref<1x1x128x128xf32, #tpu.memory_space<hbm>> -> memref<128x128xf32, #tpu.memory_space<hbm>>
    %dma_start3A_280 = tpu.memref_slice %arg8[%dma_start3A_271] : memref<5x!tpu.dma_semaphore, #tpu.memory_space<semaphore_mem>> -> memref<1x!tpu.dma_semaphore, #tpu.memory_space<semaphore_mem>>
    %dma_start3A_281 = tpu.memref_squeeze %dma_start3A_280 : memref<1x!tpu.dma_semaphore, #tpu.memory_space<semaphore_mem>> -> memref<!tpu.dma_semaphore, #tpu.memory_space<semaphore_mem>>
    %dma_start3A_282 = arith.constant 0 : i32
    %dma_start3A_283 = arith.constant 0 : i32
    %dma_start3A_284 = tpu.memref_slice %arg4[%add3A, %dma_start3A_270, %dma_start3A_282, %dma_start3A_283] : memref<32x50x128x128xf32, #tpu.memory_space<hbm>> -> memref<1x1x128x128xf32, #tpu.memory_space<hbm>>
    %dma_start3A_285 = tpu.memref_squeeze %dma_start3A_284 : memref<1x1x128x128xf32, #tpu.memory_space<hbm>> -> memref<128x128xf32, #tpu.memory_space<hbm>>
    %dma_start3A_286 = arith.constant 0 : i32
    %dma_start3A_287 = arith.constant 0 : i32
    %dma_start3A_288 = tpu.memref_slice %arg6[%dma_start3A_269, %dma_start3A_286, %dma_start3A_287] : memref<5x128x128xf32, #tpu.memory_space<vmem>> -> memref<1x128x128xf32, #tpu.memory_space<vmem>>
    %dma_start3A_289 = tpu.memref_squeeze %dma_start3A_288 : memref<1x128x128xf32, #tpu.memory_space<vmem>> -> memref<128x128xf32, #tpu.memory_space<vmem>>
    tpu.enqueue_dma source(%dma_start3A_289 : memref<128x128xf32, #tpu.memory_space<vmem>>) target(%dma_start3A_285 : memref<128x128xf32, #tpu.memory_space<hbm>>) target_semaphore(%dma_start3A_281 : memref<!tpu.dma_semaphore, #tpu.memory_space<semaphore_mem>>)
    %dma_wait3A_290 = arith.constant 1 : i32
    %dma_wait3A_291 = arith.constant 1 : i32
    %dma_wait3A_292 = arith.constant 1 : i32
    %dma_wait3A_293 = arith.constant 0 : i32
    %dma_wait3A_294 = arith.constant 0 : i32
    %dma_wait3A_295 = tpu.memref_slice %arg6[%dma_wait3A_290, %dma_wait3A_293, %dma_wait3A_294] : memref<5x128x128xf32, #tpu.memory_space<vmem>> -> memref<1x128x128xf32, #tpu.memory_space<vmem>>
    %dma_wait3A_296 = tpu.memref_squeeze %dma_wait3A_295 : memref<1x128x128xf32, #tpu.memory_space<vmem>> -> memref<128x128xf32, #tpu.memory_space<vmem>>
    %dma_wait3A_297 = arith.constant 0 : i32
    %dma_wait3A_298 = arith.constant 0 : i32
    %dma_wait3A_299 = tpu.memref_slice %arg4[%add3A, %dma_wait3A_291, %dma_wait3A_297, %dma_wait3A_298] : memref<32x50x128x128xf32, #tpu.memory_space<hbm>> -> memref<1x1x128x128xf32, #tpu.memory_space<hbm>>
    %dma_wait3A_300 = tpu.memref_squeeze %dma_wait3A_299 : memref<1x1x128x128xf32, #tpu.memory_space<hbm>> -> memref<128x128xf32, #tpu.memory_space<hbm>>
    %dma_wait3A_301 = tpu.memref_slice %arg8[%dma_wait3A_292] : memref<5x!tpu.dma_semaphore, #tpu.memory_space<semaphore_mem>> -> memref<1x!tpu.dma_semaphore, #tpu.memory_space<semaphore_mem>>
    %dma_wait3A_302 = tpu.memref_squeeze %dma_wait3A_301 : memref<1x!tpu.dma_semaphore, #tpu.memory_space<semaphore_mem>> -> memref<!tpu.dma_semaphore, #tpu.memory_space<semaphore_mem>>
    %dma_wait3A_303 = arith.constant 0 : i32
    %dma_wait3A_304 = arith.constant 0 : i32
    %dma_wait3A_305 = tpu.memref_slice %arg4[%add3A, %dma_wait3A_291, %dma_wait3A_303, %dma_wait3A_304] : memref<32x50x128x128xf32, #tpu.memory_space<hbm>> -> memref<1x1x128x128xf32, #tpu.memory_space<hbm>>
    %dma_wait3A_306 = tpu.memref_squeeze %dma_wait3A_305 : memref<1x1x128x128xf32, #tpu.memory_space<hbm>> -> memref<128x128xf32, #tpu.memory_space<hbm>>
    %dma_wait3A_307 = arith.constant 0 : i32
    %dma_wait3A_308 = arith.constant 0 : i32
    %dma_wait3A_309 = tpu.memref_slice %arg6[%dma_wait3A_290, %dma_wait3A_307, %dma_wait3A_308] : memref<5x128x128xf32, #tpu.memory_space<vmem>> -> memref<1x128x128xf32, #tpu.memory_space<vmem>>
    %dma_wait3A_310 = tpu.memref_squeeze %dma_wait3A_309 : memref<1x128x128xf32, #tpu.memory_space<vmem>> -> memref<128x128xf32, #tpu.memory_space<vmem>>
    tpu.wait_dma2 semaphore(%dma_wait3A_302 : memref<!tpu.dma_semaphore, #tpu.memory_space<semaphore_mem>>) src(%dma_wait3A_310 : memref<128x128xf32, #tpu.memory_space<vmem>>) dst(%dma_wait3A_306 : memref<128x128xf32, #tpu.memory_space<hbm>>)
    %dma_start3A_311 = arith.constant 6 : i32
    %dma_start3A_312 = arith.constant 1 : i32
    %dma_start3A_313 = arith.constant 1 : i32
    %dma_start3A_314 = arith.constant 0 : i32
    %dma_start3A_315 = arith.constant 0 : i32
    %dma_start3A_316 = tpu.memref_slice %arg6[%dma_start3A_312, %dma_start3A_314, %dma_start3A_315] : memref<5x128x128xf32, #tpu.memory_space<vmem>> -> memref<1x128x128xf32, #tpu.memory_space<vmem>>
    %dma_start3A_317 = tpu.memref_squeeze %dma_start3A_316 : memref<1x128x128xf32, #tpu.memory_space<vmem>> -> memref<128x128xf32, #tpu.memory_space<vmem>>
    %dma_start3A_318 = arith.constant 0 : i32
    %dma_start3A_319 = tpu.memref_slice %arg5[%dma_start3A_311, %dma_start3A_318] : memref<50x128xi32, #tpu.memory_space<vmem>> -> memref<1x128xi32, #tpu.memory_space<vmem>>
    %dma_start3A_320 = tpu.memref_squeeze %dma_start3A_319 : memref<1x128xi32, #tpu.memory_space<vmem>> -> memref<128xi32, #tpu.memory_space<vmem>>
    %dma_start3A_321 = arith.constant 0 : i32
    %dma_start3A_322 = arith.constant 0 : i32
    %dma_start3A_323 = tpu.memref_slice %arg3[%dma_start3A_321, %dma_start3A_322] : memref<100000x128xf32, #tpu.memory_space<hbm>> -> memref<100000x128xf32, #tpu.memory_space<hbm>>
    %dma_start3A_324 = tpu.memref_slice %arg7[%dma_start3A_313] : memref<5x!tpu.dma_semaphore, #tpu.memory_space<semaphore_mem>> -> memref<1x!tpu.dma_semaphore, #tpu.memory_space<semaphore_mem>>
    %dma_start3A_325 = tpu.memref_squeeze %dma_start3A_324 : memref<1x!tpu.dma_semaphore, #tpu.memory_space<semaphore_mem>> -> memref<!tpu.dma_semaphore, #tpu.memory_space<semaphore_mem>>
    tpu.enqueue_indirect_dma source(%dma_start3A_323 : memref<100000x128xf32, #tpu.memory_space<hbm>>) target(%dma_start3A_317 : memref<128x128xf32, #tpu.memory_space<vmem>>) offsets(%dma_start3A_320 : memref<128xi32, #tpu.memory_space<vmem>>) semaphore(%dma_start3A_325 : memref<!tpu.dma_semaphore, #tpu.memory_space<semaphore_mem>>)
    %scan3A = arith.constant 0 : i32
    %scan3A_326 = arith.constant 8 : i32
    %scan3A_327 = arith.addi %scan3A, %scan3A_326 : i32
    %scan3A_328 = arith.constant 1 : i32
    scf.for %scan3A_723 = %scan3A to %scan3A_327 step %scan3A_328  : i32 {
      %mul3A_724 = arith.constant 1 : i32
      %mul3A_725 = arith.muli %scan3A_723, %mul3A_724 : i32
      %add3A_726 = arith.constant 1 : i32
      %add3A_727 = arith.addi %add3A_726, %mul3A_725 : i32
      %mul3A_728 = arith.constant 5 : i32
      %mul3A_729 = arith.muli %add3A_727, %mul3A_728 : i32
      %add3A_730 = arith.constant 0 : i32
      %add3A_731 = arith.addi %mul3A_729, %add3A_730 : i32
      %dma_wait3A_732 = arith.constant 0 : i32
      %dma_wait3A_733 = arith.constant 0 : i32
      %dma_wait3A_734 = arith.constant 0 : i32
      %dma_wait3A_735 = arith.constant 0 : i32
      %dma_wait3A_736 = tpu.memref_slice %arg6[%dma_wait3A_732, %dma_wait3A_734, %dma_wait3A_735] : memref<5x128x128xf32, #tpu.memory_space<vmem>> -> memref<1x128x128xf32, #tpu.memory_space<vmem>>
      %dma_wait3A_737 = tpu.memref_squeeze %dma_wait3A_736 : memref<1x128x128xf32, #tpu.memory_space<vmem>> -> memref<128x128xf32, #tpu.memory_space<vmem>>
      %dma_wait3A_738 = arith.constant 0 : i32
      %dma_wait3A_739 = tpu.memref_slice %arg5[%add3A_731, %dma_wait3A_738] : memref<50x128xi32, #tpu.memory_space<vmem>> -> memref<1x128xi32, #tpu.memory_space<vmem>>
      %dma_wait3A_740 = tpu.memref_squeeze %dma_wait3A_739 : memref<1x128xi32, #tpu.memory_space<vmem>> -> memref<128xi32, #tpu.memory_space<vmem>>
      %dma_wait3A_741 = arith.constant 0 : i32
      %dma_wait3A_742 = arith.constant 0 : i32
      %dma_wait3A_743 = tpu.memref_slice %arg3[%dma_wait3A_741, %dma_wait3A_742] : memref<100000x128xf32, #tpu.memory_space<hbm>> -> memref<100000x128xf32, #tpu.memory_space<hbm>>
      %dma_wait3A_744 = tpu.memref_slice %arg7[%dma_wait3A_733] : memref<5x!tpu.dma_semaphore, #tpu.memory_space<semaphore_mem>> -> memref<1x!tpu.dma_semaphore, #tpu.memory_space<semaphore_mem>>
      %dma_wait3A_745 = tpu.memref_squeeze %dma_wait3A_744 : memref<1x!tpu.dma_semaphore, #tpu.memory_space<semaphore_mem>> -> memref<!tpu.dma_semaphore, #tpu.memory_space<semaphore_mem>>
      tpu.wait_indirect_dma semaphore(%dma_wait3A_745 : memref<!tpu.dma_semaphore, #tpu.memory_space<semaphore_mem>>) src(%dma_wait3A_743 : memref<100000x128xf32, #tpu.memory_space<hbm>>) dst(%dma_wait3A_737 : memref<128x128xf32, #tpu.memory_space<vmem>>)
      %dma_start3A_746 = arith.constant 0 : i32
      %dma_start3A_747 = arith.constant 0 : i32
      %dma_start3A_748 = arith.constant 0 : i32
      %dma_start3A_749 = arith.constant 0 : i32
      %dma_start3A_750 = tpu.memref_slice %arg6[%dma_start3A_746, %dma_start3A_748, %dma_start3A_749] : memref<5x128x128xf32, #tpu.memory_space<vmem>> -> memref<1x128x128xf32, #tpu.memory_space<vmem>>
      %dma_start3A_751 = tpu.memref_squeeze %dma_start3A_750 : memref<1x128x128xf32, #tpu.memory_space<vmem>> -> memref<128x128xf32, #tpu.memory_space<vmem>>
      %dma_start3A_752 = arith.constant 0 : i32
      %dma_start3A_753 = arith.constant 0 : i32
      %dma_start3A_754 = tpu.memref_slice %arg4[%add3A, %add3A_731, %dma_start3A_752, %dma_start3A_753] : memref<32x50x128x128xf32, #tpu.memory_space<hbm>> -> memref<1x1x128x128xf32, #tpu.memory_space<hbm>>
      %dma_start3A_755 = tpu.memref_squeeze %dma_start3A_754 : memref<1x1x128x128xf32, #tpu.memory_space<hbm>> -> memref<128x128xf32, #tpu.memory_space<hbm>>
      %dma_start3A_756 = tpu.memref_slice %arg8[%dma_start3A_747] : memref<5x!tpu.dma_semaphore, #tpu.memory_space<semaphore_mem>> -> memref<1x!tpu.dma_semaphore, #tpu.memory_space<semaphore_mem>>
      %dma_start3A_757 = tpu.memref_squeeze %dma_start3A_756 : memref<1x!tpu.dma_semaphore, #tpu.memory_space<semaphore_mem>> -> memref<!tpu.dma_semaphore, #tpu.memory_space<semaphore_mem>>
      %dma_start3A_758 = arith.constant 0 : i32
      %dma_start3A_759 = arith.constant 0 : i32
      %dma_start3A_760 = tpu.memref_slice %arg4[%add3A, %add3A_731, %dma_start3A_758, %dma_start3A_759] : memref<32x50x128x128xf32, #tpu.memory_space<hbm>> -> memref<1x1x128x128xf32, #tpu.memory_space<hbm>>
      %dma_start3A_761 = tpu.memref_squeeze %dma_start3A_760 : memref<1x1x128x128xf32, #tpu.memory_space<hbm>> -> memref<128x128xf32, #tpu.memory_space<hbm>>
      %dma_start3A_762 = arith.constant 0 : i32
      %dma_start3A_763 = arith.constant 0 : i32
      %dma_start3A_764 = tpu.memref_slice %arg6[%dma_start3A_746, %dma_start3A_762, %dma_start3A_763] : memref<5x128x128xf32, #tpu.memory_space<vmem>> -> memref<1x128x128xf32, #tpu.memory_space<vmem>>
      %dma_start3A_765 = tpu.memref_squeeze %dma_start3A_764 : memref<1x128x128xf32, #tpu.memory_space<vmem>> -> memref<128x128xf32, #tpu.memory_space<vmem>>
      tpu.enqueue_dma source(%dma_start3A_765 : memref<128x128xf32, #tpu.memory_space<vmem>>) target(%dma_start3A_761 : memref<128x128xf32, #tpu.memory_space<hbm>>) target_semaphore(%dma_start3A_757 : memref<!tpu.dma_semaphore, #tpu.memory_space<semaphore_mem>>)
      %add3A_766 = arith.constant 2 : i32
      %add3A_767 = arith.addi %add3A_731, %add3A_766 : i32
      %sub3A = arith.constant 5 : i32
      %sub3A_768 = arith.subi %add3A_767, %sub3A : i32
      %dma_wait3A_769 = arith.constant 2 : i32
      %dma_wait3A_770 = arith.constant 2 : i32
      %dma_wait3A_771 = arith.constant 0 : i32
      %dma_wait3A_772 = arith.constant 0 : i32
      %dma_wait3A_773 = tpu.memref_slice %arg6[%dma_wait3A_769, %dma_wait3A_771, %dma_wait3A_772] : memref<5x128x128xf32, #tpu.memory_space<vmem>> -> memref<1x128x128xf32, #tpu.memory_space<vmem>>
      %dma_wait3A_774 = tpu.memref_squeeze %dma_wait3A_773 : memref<1x128x128xf32, #tpu.memory_space<vmem>> -> memref<128x128xf32, #tpu.memory_space<vmem>>
      %dma_wait3A_775 = arith.constant 0 : i32
      %dma_wait3A_776 = arith.constant 0 : i32
      %dma_wait3A_777 = tpu.memref_slice %arg4[%add3A, %sub3A_768, %dma_wait3A_775, %dma_wait3A_776] : memref<32x50x128x128xf32, #tpu.memory_space<hbm>> -> memref<1x1x128x128xf32, #tpu.memory_space<hbm>>
      %dma_wait3A_778 = tpu.memref_squeeze %dma_wait3A_777 : memref<1x1x128x128xf32, #tpu.memory_space<hbm>> -> memref<128x128xf32, #tpu.memory_space<hbm>>
      %dma_wait3A_779 = tpu.memref_slice %arg8[%dma_wait3A_770] : memref<5x!tpu.dma_semaphore, #tpu.memory_space<semaphore_mem>> -> memref<1x!tpu.dma_semaphore, #tpu.memory_space<semaphore_mem>>
      %dma_wait3A_780 = tpu.memref_squeeze %dma_wait3A_779 : memref<1x!tpu.dma_semaphore, #tpu.memory_space<semaphore_mem>> -> memref<!tpu.dma_semaphore, #tpu.memory_space<semaphore_mem>>
      %dma_wait3A_781 = arith.constant 0 : i32
      %dma_wait3A_782 = arith.constant 0 : i32
      %dma_wait3A_783 = tpu.memref_slice %arg4[%add3A, %sub3A_768, %dma_wait3A_781, %dma_wait3A_782] : memref<32x50x128x128xf32, #tpu.memory_space<hbm>> -> memref<1x1x128x128xf32, #tpu.memory_space<hbm>>
      %dma_wait3A_784 = tpu.memref_squeeze %dma_wait3A_783 : memref<1x1x128x128xf32, #tpu.memory_space<hbm>> -> memref<128x128xf32, #tpu.memory_space<hbm>>
      %dma_wait3A_785 = arith.constant 0 : i32
      %dma_wait3A_786 = arith.constant 0 : i32
      %dma_wait3A_787 = tpu.memref_slice %arg6[%dma_wait3A_769, %dma_wait3A_785, %dma_wait3A_786] : memref<5x128x128xf32, #tpu.memory_space<vmem>> -> memref<1x128x128xf32, #tpu.memory_space<vmem>>
      %dma_wait3A_788 = tpu.memref_squeeze %dma_wait3A_787 : memref<1x128x128xf32, #tpu.memory_space<vmem>> -> memref<128x128xf32, #tpu.memory_space<vmem>>
      tpu.wait_dma2 semaphore(%dma_wait3A_780 : memref<!tpu.dma_semaphore, #tpu.memory_space<semaphore_mem>>) src(%dma_wait3A_788 : memref<128x128xf32, #tpu.memory_space<vmem>>) dst(%dma_wait3A_784 : memref<128x128xf32, #tpu.memory_space<hbm>>)
      %add3A_789 = arith.constant 2 : i32
      %add3A_790 = arith.addi %add3A_731, %add3A_789 : i32
      %dma_start3A_791 = arith.constant 2 : i32
      %dma_start3A_792 = arith.constant 2 : i32
      %dma_start3A_793 = arith.constant 0 : i32
      %dma_start3A_794 = arith.constant 0 : i32
      %dma_start3A_795 = tpu.memref_slice %arg6[%dma_start3A_791, %dma_start3A_793, %dma_start3A_794] : memref<5x128x128xf32, #tpu.memory_space<vmem>> -> memref<1x128x128xf32, #tpu.memory_space<vmem>>
      %dma_start3A_796 = tpu.memref_squeeze %dma_start3A_795 : memref<1x128x128xf32, #tpu.memory_space<vmem>> -> memref<128x128xf32, #tpu.memory_space<vmem>>
      %dma_start3A_797 = arith.constant 0 : i32
      %dma_start3A_798 = tpu.memref_slice %arg5[%add3A_790, %dma_start3A_797] : memref<50x128xi32, #tpu.memory_space<vmem>> -> memref<1x128xi32, #tpu.memory_space<vmem>>
      %dma_start3A_799 = tpu.memref_squeeze %dma_start3A_798 : memref<1x128xi32, #tpu.memory_space<vmem>> -> memref<128xi32, #tpu.memory_space<vmem>>
      %dma_start3A_800 = arith.constant 0 : i32
      %dma_start3A_801 = arith.constant 0 : i32
      %dma_start3A_802 = tpu.memref_slice %arg3[%dma_start3A_800, %dma_start3A_801] : memref<100000x128xf32, #tpu.memory_space<hbm>> -> memref<100000x128xf32, #tpu.memory_space<hbm>>
      %dma_start3A_803 = tpu.memref_slice %arg7[%dma_start3A_792] : memref<5x!tpu.dma_semaphore, #tpu.memory_space<semaphore_mem>> -> memref<1x!tpu.dma_semaphore, #tpu.memory_space<semaphore_mem>>
      %dma_start3A_804 = tpu.memref_squeeze %dma_start3A_803 : memref<1x!tpu.dma_semaphore, #tpu.memory_space<semaphore_mem>> -> memref<!tpu.dma_semaphore, #tpu.memory_space<semaphore_mem>>
      tpu.enqueue_indirect_dma source(%dma_start3A_802 : memref<100000x128xf32, #tpu.memory_space<hbm>>) target(%dma_start3A_796 : memref<128x128xf32, #tpu.memory_space<vmem>>) offsets(%dma_start3A_799 : memref<128xi32, #tpu.memory_space<vmem>>) semaphore(%dma_start3A_804 : memref<!tpu.dma_semaphore, #tpu.memory_space<semaphore_mem>>)
      %add3A_805 = arith.constant 1 : i32
      %add3A_806 = arith.addi %mul3A_729, %add3A_805 : i32
      %dma_wait3A_807 = arith.constant 1 : i32
      %dma_wait3A_808 = arith.constant 1 : i32
      %dma_wait3A_809 = arith.constant 0 : i32
      %dma_wait3A_810 = arith.constant 0 : i32
      %dma_wait3A_811 = tpu.memref_slice %arg6[%dma_wait3A_807, %dma_wait3A_809, %dma_wait3A_810] : memref<5x128x128xf32, #tpu.memory_space<vmem>> -> memref<1x128x128xf32, #tpu.memory_space<vmem>>
      %dma_wait3A_812 = tpu.memref_squeeze %dma_wait3A_811 : memref<1x128x128xf32, #tpu.memory_space<vmem>> -> memref<128x128xf32, #tpu.memory_space<vmem>>
      %dma_wait3A_813 = arith.constant 0 : i32
      %dma_wait3A_814 = tpu.memref_slice %arg5[%add3A_806, %dma_wait3A_813] : memref<50x128xi32, #tpu.memory_space<vmem>> -> memref<1x128xi32, #tpu.memory_space<vmem>>
      %dma_wait3A_815 = tpu.memref_squeeze %dma_wait3A_814 : memref<1x128xi32, #tpu.memory_space<vmem>> -> memref<128xi32, #tpu.memory_space<vmem>>
      %dma_wait3A_816 = arith.constant 0 : i32
      %dma_wait3A_817 = arith.constant 0 : i32
      %dma_wait3A_818 = tpu.memref_slice %arg3[%dma_wait3A_816, %dma_wait3A_817] : memref<100000x128xf32, #tpu.memory_space<hbm>> -> memref<100000x128xf32, #tpu.memory_space<hbm>>
      %dma_wait3A_819 = tpu.memref_slice %arg7[%dma_wait3A_808] : memref<5x!tpu.dma_semaphore, #tpu.memory_space<semaphore_mem>> -> memref<1x!tpu.dma_semaphore, #tpu.memory_space<semaphore_mem>>
      %dma_wait3A_820 = tpu.memref_squeeze %dma_wait3A_819 : memref<1x!tpu.dma_semaphore, #tpu.memory_space<semaphore_mem>> -> memref<!tpu.dma_semaphore, #tpu.memory_space<semaphore_mem>>
      tpu.wait_indirect_dma semaphore(%dma_wait3A_820 : memref<!tpu.dma_semaphore, #tpu.memory_space<semaphore_mem>>) src(%dma_wait3A_818 : memref<100000x128xf32, #tpu.memory_space<hbm>>) dst(%dma_wait3A_812 : memref<128x128xf32, #tpu.memory_space<vmem>>)
      %dma_start3A_821 = arith.constant 1 : i32
      %dma_start3A_822 = arith.constant 1 : i32
      %dma_start3A_823 = arith.constant 0 : i32
      %dma_start3A_824 = arith.constant 0 : i32
      %dma_start3A_825 = tpu.memref_slice %arg6[%dma_start3A_821, %dma_start3A_823, %dma_start3A_824] : memref<5x128x128xf32, #tpu.memory_space<vmem>> -> memref<1x128x128xf32, #tpu.memory_space<vmem>>
      %dma_start3A_826 = tpu.memref_squeeze %dma_start3A_825 : memref<1x128x128xf32, #tpu.memory_space<vmem>> -> memref<128x128xf32, #tpu.memory_space<vmem>>
      %dma_start3A_827 = arith.constant 0 : i32
      %dma_start3A_828 = arith.constant 0 : i32
      %dma_start3A_829 = tpu.memref_slice %arg4[%add3A, %add3A_806, %dma_start3A_827, %dma_start3A_828] : memref<32x50x128x128xf32, #tpu.memory_space<hbm>> -> memref<1x1x128x128xf32, #tpu.memory_space<hbm>>
      %dma_start3A_830 = tpu.memref_squeeze %dma_start3A_829 : memref<1x1x128x128xf32, #tpu.memory_space<hbm>> -> memref<128x128xf32, #tpu.memory_space<hbm>>
      %dma_start3A_831 = tpu.memref_slice %arg8[%dma_start3A_822] : memref<5x!tpu.dma_semaphore, #tpu.memory_space<semaphore_mem>> -> memref<1x!tpu.dma_semaphore, #tpu.memory_space<semaphore_mem>>
      %dma_start3A_832 = tpu.memref_squeeze %dma_start3A_831 : memref<1x!tpu.dma_semaphore, #tpu.memory_space<semaphore_mem>> -> memref<!tpu.dma_semaphore, #tpu.memory_space<semaphore_mem>>
      %dma_start3A_833 = arith.constant 0 : i32
      %dma_start3A_834 = arith.constant 0 : i32
      %dma_start3A_835 = tpu.memref_slice %arg4[%add3A, %add3A_806, %dma_start3A_833, %dma_start3A_834] : memref<32x50x128x128xf32, #tpu.memory_space<hbm>> -> memref<1x1x128x128xf32, #tpu.memory_space<hbm>>
      %dma_start3A_836 = tpu.memref_squeeze %dma_start3A_835 : memref<1x1x128x128xf32, #tpu.memory_space<hbm>> -> memref<128x128xf32, #tpu.memory_space<hbm>>
      %dma_start3A_837 = arith.constant 0 : i32
      %dma_start3A_838 = arith.constant 0 : i32
      %dma_start3A_839 = tpu.memref_slice %arg6[%dma_start3A_821, %dma_start3A_837, %dma_start3A_838] : memref<5x128x128xf32, #tpu.memory_space<vmem>> -> memref<1x128x128xf32, #tpu.memory_space<vmem>>
      %dma_start3A_840 = tpu.memref_squeeze %dma_start3A_839 : memref<1x128x128xf32, #tpu.memory_space<vmem>> -> memref<128x128xf32, #tpu.memory_space<vmem>>
      tpu.enqueue_dma source(%dma_start3A_840 : memref<128x128xf32, #tpu.memory_space<vmem>>) target(%dma_start3A_836 : memref<128x128xf32, #tpu.memory_space<hbm>>) target_semaphore(%dma_start3A_832 : memref<!tpu.dma_semaphore, #tpu.memory_space<semaphore_mem>>)
      %add3A_841 = arith.constant 2 : i32
      %add3A_842 = arith.addi %add3A_806, %add3A_841 : i32
      %sub3A_843 = arith.constant 5 : i32
      %sub3A_844 = arith.subi %add3A_842, %sub3A_843 : i32
      %dma_wait3A_845 = arith.constant 3 : i32
      %dma_wait3A_846 = arith.constant 3 : i32
      %dma_wait3A_847 = arith.constant 0 : i32
      %dma_wait3A_848 = arith.constant 0 : i32
      %dma_wait3A_849 = tpu.memref_slice %arg6[%dma_wait3A_845, %dma_wait3A_847, %dma_wait3A_848] : memref<5x128x128xf32, #tpu.memory_space<vmem>> -> memref<1x128x128xf32, #tpu.memory_space<vmem>>
      %dma_wait3A_850 = tpu.memref_squeeze %dma_wait3A_849 : memref<1x128x128xf32, #tpu.memory_space<vmem>> -> memref<128x128xf32, #tpu.memory_space<vmem>>
      %dma_wait3A_851 = arith.constant 0 : i32
      %dma_wait3A_852 = arith.constant 0 : i32
      %dma_wait3A_853 = tpu.memref_slice %arg4[%add3A, %sub3A_844, %dma_wait3A_851, %dma_wait3A_852] : memref<32x50x128x128xf32, #tpu.memory_space<hbm>> -> memref<1x1x128x128xf32, #tpu.memory_space<hbm>>
      %dma_wait3A_854 = tpu.memref_squeeze %dma_wait3A_853 : memref<1x1x128x128xf32, #tpu.memory_space<hbm>> -> memref<128x128xf32, #tpu.memory_space<hbm>>
      %dma_wait3A_855 = tpu.memref_slice %arg8[%dma_wait3A_846] : memref<5x!tpu.dma_semaphore, #tpu.memory_space<semaphore_mem>> -> memref<1x!tpu.dma_semaphore, #tpu.memory_space<semaphore_mem>>
      %dma_wait3A_856 = tpu.memref_squeeze %dma_wait3A_855 : memref<1x!tpu.dma_semaphore, #tpu.memory_space<semaphore_mem>> -> memref<!tpu.dma_semaphore, #tpu.memory_space<semaphore_mem>>
      %dma_wait3A_857 = arith.constant 0 : i32
      %dma_wait3A_858 = arith.constant 0 : i32
      %dma_wait3A_859 = tpu.memref_slice %arg4[%add3A, %sub3A_844, %dma_wait3A_857, %dma_wait3A_858] : memref<32x50x128x128xf32, #tpu.memory_space<hbm>> -> memref<1x1x128x128xf32, #tpu.memory_space<hbm>>
      %dma_wait3A_860 = tpu.memref_squeeze %dma_wait3A_859 : memref<1x1x128x128xf32, #tpu.memory_space<hbm>> -> memref<128x128xf32, #tpu.memory_space<hbm>>
      %dma_wait3A_861 = arith.constant 0 : i32
      %dma_wait3A_862 = arith.constant 0 : i32
      %dma_wait3A_863 = tpu.memref_slice %arg6[%dma_wait3A_845, %dma_wait3A_861, %dma_wait3A_862] : memref<5x128x128xf32, #tpu.memory_space<vmem>> -> memref<1x128x128xf32, #tpu.memory_space<vmem>>
      %dma_wait3A_864 = tpu.memref_squeeze %dma_wait3A_863 : memref<1x128x128xf32, #tpu.memory_space<vmem>> -> memref<128x128xf32, #tpu.memory_space<vmem>>
      tpu.wait_dma2 semaphore(%dma_wait3A_856 : memref<!tpu.dma_semaphore, #tpu.memory_space<semaphore_mem>>) src(%dma_wait3A_864 : memref<128x128xf32, #tpu.memory_space<vmem>>) dst(%dma_wait3A_860 : memref<128x128xf32, #tpu.memory_space<hbm>>)
      %add3A_865 = arith.constant 2 : i32
      %add3A_866 = arith.addi %add3A_806, %add3A_865 : i32
      %dma_start3A_867 = arith.constant 3 : i32
      %dma_start3A_868 = arith.constant 3 : i32
      %dma_start3A_869 = arith.constant 0 : i32
      %dma_start3A_870 = arith.constant 0 : i32
      %dma_start3A_871 = tpu.memref_slice %arg6[%dma_start3A_867, %dma_start3A_869, %dma_start3A_870] : memref<5x128x128xf32, #tpu.memory_space<vmem>> -> memref<1x128x128xf32, #tpu.memory_space<vmem>>
      %dma_start3A_872 = tpu.memref_squeeze %dma_start3A_871 : memref<1x128x128xf32, #tpu.memory_space<vmem>> -> memref<128x128xf32, #tpu.memory_space<vmem>>
      %dma_start3A_873 = arith.constant 0 : i32
      %dma_start3A_874 = tpu.memref_slice %arg5[%add3A_866, %dma_start3A_873] : memref<50x128xi32, #tpu.memory_space<vmem>> -> memref<1x128xi32, #tpu.memory_space<vmem>>
      %dma_start3A_875 = tpu.memref_squeeze %dma_start3A_874 : memref<1x128xi32, #tpu.memory_space<vmem>> -> memref<128xi32, #tpu.memory_space<vmem>>
      %dma_start3A_876 = arith.constant 0 : i32
      %dma_start3A_877 = arith.constant 0 : i32
      %dma_start3A_878 = tpu.memref_slice %arg3[%dma_start3A_876, %dma_start3A_877] : memref<100000x128xf32, #tpu.memory_space<hbm>> -> memref<100000x128xf32, #tpu.memory_space<hbm>>
      %dma_start3A_879 = tpu.memref_slice %arg7[%dma_start3A_868] : memref<5x!tpu.dma_semaphore, #tpu.memory_space<semaphore_mem>> -> memref<1x!tpu.dma_semaphore, #tpu.memory_space<semaphore_mem>>
      %dma_start3A_880 = tpu.memref_squeeze %dma_start3A_879 : memref<1x!tpu.dma_semaphore, #tpu.memory_space<semaphore_mem>> -> memref<!tpu.dma_semaphore, #tpu.memory_space<semaphore_mem>>
      tpu.enqueue_indirect_dma source(%dma_start3A_878 : memref<100000x128xf32, #tpu.memory_space<hbm>>) target(%dma_start3A_872 : memref<128x128xf32, #tpu.memory_space<vmem>>) offsets(%dma_start3A_875 : memref<128xi32, #tpu.memory_space<vmem>>) semaphore(%dma_start3A_880 : memref<!tpu.dma_semaphore, #tpu.memory_space<semaphore_mem>>)
      %add3A_881 = arith.constant 2 : i32
      %add3A_882 = arith.addi %mul3A_729, %add3A_881 : i32
      %dma_wait3A_883 = arith.constant 2 : i32
      %dma_wait3A_884 = arith.constant 2 : i32
      %dma_wait3A_885 = arith.constant 0 : i32
      %dma_wait3A_886 = arith.constant 0 : i32
      %dma_wait3A_887 = tpu.memref_slice %arg6[%dma_wait3A_883, %dma_wait3A_885, %dma_wait3A_886] : memref<5x128x128xf32, #tpu.memory_space<vmem>> -> memref<1x128x128xf32, #tpu.memory_space<vmem>>
      %dma_wait3A_888 = tpu.memref_squeeze %dma_wait3A_887 : memref<1x128x128xf32, #tpu.memory_space<vmem>> -> memref<128x128xf32, #tpu.memory_space<vmem>>
      %dma_wait3A_889 = arith.constant 0 : i32
      %dma_wait3A_890 = tpu.memref_slice %arg5[%add3A_882, %dma_wait3A_889] : memref<50x128xi32, #tpu.memory_space<vmem>> -> memref<1x128xi32, #tpu.memory_space<vmem>>
      %dma_wait3A_891 = tpu.memref_squeeze %dma_wait3A_890 : memref<1x128xi32, #tpu.memory_space<vmem>> -> memref<128xi32, #tpu.memory_space<vmem>>
      %dma_wait3A_892 = arith.constant 0 : i32
      %dma_wait3A_893 = arith.constant 0 : i32
      %dma_wait3A_894 = tpu.memref_slice %arg3[%dma_wait3A_892, %dma_wait3A_893] : memref<100000x128xf32, #tpu.memory_space<hbm>> -> memref<100000x128xf32, #tpu.memory_space<hbm>>
      %dma_wait3A_895 = tpu.memref_slice %arg7[%dma_wait3A_884] : memref<5x!tpu.dma_semaphore, #tpu.memory_space<semaphore_mem>> -> memref<1x!tpu.dma_semaphore, #tpu.memory_space<semaphore_mem>>
      %dma_wait3A_896 = tpu.memref_squeeze %dma_wait3A_895 : memref<1x!tpu.dma_semaphore, #tpu.memory_space<semaphore_mem>> -> memref<!tpu.dma_semaphore, #tpu.memory_space<semaphore_mem>>
      tpu.wait_indirect_dma semaphore(%dma_wait3A_896 : memref<!tpu.dma_semaphore, #tpu.memory_space<semaphore_mem>>) src(%dma_wait3A_894 : memref<100000x128xf32, #tpu.memory_space<hbm>>) dst(%dma_wait3A_888 : memref<128x128xf32, #tpu.memory_space<vmem>>)
      %dma_start3A_897 = arith.constant 2 : i32
      %dma_start3A_898 = arith.constant 2 : i32
      %dma_start3A_899 = arith.constant 0 : i32
      %dma_start3A_900 = arith.constant 0 : i32
      %dma_start3A_901 = tpu.memref_slice %arg6[%dma_start3A_897, %dma_start3A_899, %dma_start3A_900] : memref<5x128x128xf32, #tpu.memory_space<vmem>> -> memref<1x128x128xf32, #tpu.memory_space<vmem>>
      %dma_start3A_902 = tpu.memref_squeeze %dma_start3A_901 : memref<1x128x128xf32, #tpu.memory_space<vmem>> -> memref<128x128xf32, #tpu.memory_space<vmem>>
      %dma_start3A_903 = arith.constant 0 : i32
      %dma_start3A_904 = arith.constant 0 : i32
      %dma_start3A_905 = tpu.memref_slice %arg4[%add3A, %add3A_882, %dma_start3A_903, %dma_start3A_904] : memref<32x50x128x128xf32, #tpu.memory_space<hbm>> -> memref<1x1x128x128xf32, #tpu.memory_space<hbm>>
      %dma_start3A_906 = tpu.memref_squeeze %dma_start3A_905 : memref<1x1x128x128xf32, #tpu.memory_space<hbm>> -> memref<128x128xf32, #tpu.memory_space<hbm>>
      %dma_start3A_907 = tpu.memref_slice %arg8[%dma_start3A_898] : memref<5x!tpu.dma_semaphore, #tpu.memory_space<semaphore_mem>> -> memref<1x!tpu.dma_semaphore, #tpu.memory_space<semaphore_mem>>
      %dma_start3A_908 = tpu.memref_squeeze %dma_start3A_907 : memref<1x!tpu.dma_semaphore, #tpu.memory_space<semaphore_mem>> -> memref<!tpu.dma_semaphore, #tpu.memory_space<semaphore_mem>>
      %dma_start3A_909 = arith.constant 0 : i32
      %dma_start3A_910 = arith.constant 0 : i32
      %dma_start3A_911 = tpu.memref_slice %arg4[%add3A, %add3A_882, %dma_start3A_909, %dma_start3A_910] : memref<32x50x128x128xf32, #tpu.memory_space<hbm>> -> memref<1x1x128x128xf32, #tpu.memory_space<hbm>>
      %dma_start3A_912 = tpu.memref_squeeze %dma_start3A_911 : memref<1x1x128x128xf32, #tpu.memory_space<hbm>> -> memref<128x128xf32, #tpu.memory_space<hbm>>
      %dma_start3A_913 = arith.constant 0 : i32
      %dma_start3A_914 = arith.constant 0 : i32
      %dma_start3A_915 = tpu.memref_slice %arg6[%dma_start3A_897, %dma_start3A_913, %dma_start3A_914] : memref<5x128x128xf32, #tpu.memory_space<vmem>> -> memref<1x128x128xf32, #tpu.memory_space<vmem>>
      %dma_start3A_916 = tpu.memref_squeeze %dma_start3A_915 : memref<1x128x128xf32, #tpu.memory_space<vmem>> -> memref<128x128xf32, #tpu.memory_space<vmem>>
      tpu.enqueue_dma source(%dma_start3A_916 : memref<128x128xf32, #tpu.memory_space<vmem>>) target(%dma_start3A_912 : memref<128x128xf32, #tpu.memory_space<hbm>>) target_semaphore(%dma_start3A_908 : memref<!tpu.dma_semaphore, #tpu.memory_space<semaphore_mem>>)
      %add3A_917 = arith.constant 2 : i32
      %add3A_918 = arith.addi %add3A_882, %add3A_917 : i32
      %sub3A_919 = arith.constant 5 : i32
      %sub3A_920 = arith.subi %add3A_918, %sub3A_919 : i32
      %dma_wait3A_921 = arith.constant 4 : i32
      %dma_wait3A_922 = arith.constant 4 : i32
      %dma_wait3A_923 = arith.constant 0 : i32
      %dma_wait3A_924 = arith.constant 0 : i32
      %dma_wait3A_925 = tpu.memref_slice %arg6[%dma_wait3A_921, %dma_wait3A_923, %dma_wait3A_924] : memref<5x128x128xf32, #tpu.memory_space<vmem>> -> memref<1x128x128xf32, #tpu.memory_space<vmem>>
      %dma_wait3A_926 = tpu.memref_squeeze %dma_wait3A_925 : memref<1x128x128xf32, #tpu.memory_space<vmem>> -> memref<128x128xf32, #tpu.memory_space<vmem>>
      %dma_wait3A_927 = arith.constant 0 : i32
      %dma_wait3A_928 = arith.constant 0 : i32
      %dma_wait3A_929 = tpu.memref_slice %arg4[%add3A, %sub3A_920, %dma_wait3A_927, %dma_wait3A_928] : memref<32x50x128x128xf32, #tpu.memory_space<hbm>> -> memref<1x1x128x128xf32, #tpu.memory_space<hbm>>
      %dma_wait3A_930 = tpu.memref_squeeze %dma_wait3A_929 : memref<1x1x128x128xf32, #tpu.memory_space<hbm>> -> memref<128x128xf32, #tpu.memory_space<hbm>>
      %dma_wait3A_931 = tpu.memref_slice %arg8[%dma_wait3A_922] : memref<5x!tpu.dma_semaphore, #tpu.memory_space<semaphore_mem>> -> memref<1x!tpu.dma_semaphore, #tpu.memory_space<semaphore_mem>>
      %dma_wait3A_932 = tpu.memref_squeeze %dma_wait3A_931 : memref<1x!tpu.dma_semaphore, #tpu.memory_space<semaphore_mem>> -> memref<!tpu.dma_semaphore, #tpu.memory_space<semaphore_mem>>
      %dma_wait3A_933 = arith.constant 0 : i32
      %dma_wait3A_934 = arith.constant 0 : i32
      %dma_wait3A_935 = tpu.memref_slice %arg4[%add3A, %sub3A_920, %dma_wait3A_933, %dma_wait3A_934] : memref<32x50x128x128xf32, #tpu.memory_space<hbm>> -> memref<1x1x128x128xf32, #tpu.memory_space<hbm>>
      %dma_wait3A_936 = tpu.memref_squeeze %dma_wait3A_935 : memref<1x1x128x128xf32, #tpu.memory_space<hbm>> -> memref<128x128xf32, #tpu.memory_space<hbm>>
      %dma_wait3A_937 = arith.constant 0 : i32
      %dma_wait3A_938 = arith.constant 0 : i32
      %dma_wait3A_939 = tpu.memref_slice %arg6[%dma_wait3A_921, %dma_wait3A_937, %dma_wait3A_938] : memref<5x128x128xf32, #tpu.memory_space<vmem>> -> memref<1x128x128xf32, #tpu.memory_space<vmem>>
      %dma_wait3A_940 = tpu.memref_squeeze %dma_wait3A_939 : memref<1x128x128xf32, #tpu.memory_space<vmem>> -> memref<128x128xf32, #tpu.memory_space<vmem>>
      tpu.wait_dma2 semaphore(%dma_wait3A_932 : memref<!tpu.dma_semaphore, #tpu.memory_space<semaphore_mem>>) src(%dma_wait3A_940 : memref<128x128xf32, #tpu.memory_space<vmem>>) dst(%dma_wait3A_936 : memref<128x128xf32, #tpu.memory_space<hbm>>)
      %add3A_941 = arith.constant 2 : i32
      %add3A_942 = arith.addi %add3A_882, %add3A_941 : i32
      %dma_start3A_943 = arith.constant 4 : i32
      %dma_start3A_944 = arith.constant 4 : i32
      %dma_start3A_945 = arith.constant 0 : i32
      %dma_start3A_946 = arith.constant 0 : i32
      %dma_start3A_947 = tpu.memref_slice %arg6[%dma_start3A_943, %dma_start3A_945, %dma_start3A_946] : memref<5x128x128xf32, #tpu.memory_space<vmem>> -> memref<1x128x128xf32, #tpu.memory_space<vmem>>
      %dma_start3A_948 = tpu.memref_squeeze %dma_start3A_947 : memref<1x128x128xf32, #tpu.memory_space<vmem>> -> memref<128x128xf32, #tpu.memory_space<vmem>>
      %dma_start3A_949 = arith.constant 0 : i32
      %dma_start3A_950 = tpu.memref_slice %arg5[%add3A_942, %dma_start3A_949] : memref<50x128xi32, #tpu.memory_space<vmem>> -> memref<1x128xi32, #tpu.memory_space<vmem>>
      %dma_start3A_951 = tpu.memref_squeeze %dma_start3A_950 : memref<1x128xi32, #tpu.memory_space<vmem>> -> memref<128xi32, #tpu.memory_space<vmem>>
      %dma_start3A_952 = arith.constant 0 : i32
      %dma_start3A_953 = arith.constant 0 : i32
      %dma_start3A_954 = tpu.memref_slice %arg3[%dma_start3A_952, %dma_start3A_953] : memref<100000x128xf32, #tpu.memory_space<hbm>> -> memref<100000x128xf32, #tpu.memory_space<hbm>>
      %dma_start3A_955 = tpu.memref_slice %arg7[%dma_start3A_944] : memref<5x!tpu.dma_semaphore, #tpu.memory_space<semaphore_mem>> -> memref<1x!tpu.dma_semaphore, #tpu.memory_space<semaphore_mem>>
      %dma_start3A_956 = tpu.memref_squeeze %dma_start3A_955 : memref<1x!tpu.dma_semaphore, #tpu.memory_space<semaphore_mem>> -> memref<!tpu.dma_semaphore, #tpu.memory_space<semaphore_mem>>
      tpu.enqueue_indirect_dma source(%dma_start3A_954 : memref<100000x128xf32, #tpu.memory_space<hbm>>) target(%dma_start3A_948 : memref<128x128xf32, #tpu.memory_space<vmem>>) offsets(%dma_start3A_951 : memref<128xi32, #tpu.memory_space<vmem>>) semaphore(%dma_start3A_956 : memref<!tpu.dma_semaphore, #tpu.memory_space<semaphore_mem>>)
      %add3A_957 = arith.constant 3 : i32
      %add3A_958 = arith.addi %mul3A_729, %add3A_957 : i32
      %dma_wait3A_959 = arith.constant 3 : i32
      %dma_wait3A_960 = arith.constant 3 : i32
      %dma_wait3A_961 = arith.constant 0 : i32
      %dma_wait3A_962 = arith.constant 0 : i32
      %dma_wait3A_963 = tpu.memref_slice %arg6[%dma_wait3A_959, %dma_wait3A_961, %dma_wait3A_962] : memref<5x128x128xf32, #tpu.memory_space<vmem>> -> memref<1x128x128xf32, #tpu.memory_space<vmem>>
      %dma_wait3A_964 = tpu.memref_squeeze %dma_wait3A_963 : memref<1x128x128xf32, #tpu.memory_space<vmem>> -> memref<128x128xf32, #tpu.memory_space<vmem>>
      %dma_wait3A_965 = arith.constant 0 : i32
      %dma_wait3A_966 = tpu.memref_slice %arg5[%add3A_958, %dma_wait3A_965] : memref<50x128xi32, #tpu.memory_space<vmem>> -> memref<1x128xi32, #tpu.memory_space<vmem>>
      %dma_wait3A_967 = tpu.memref_squeeze %dma_wait3A_966 : memref<1x128xi32, #tpu.memory_space<vmem>> -> memref<128xi32, #tpu.memory_space<vmem>>
      %dma_wait3A_968 = arith.constant 0 : i32
      %dma_wait3A_969 = arith.constant 0 : i32
      %dma_wait3A_970 = tpu.memref_slice %arg3[%dma_wait3A_968, %dma_wait3A_969] : memref<100000x128xf32, #tpu.memory_space<hbm>> -> memref<100000x128xf32, #tpu.memory_space<hbm>>
      %dma_wait3A_971 = tpu.memref_slice %arg7[%dma_wait3A_960] : memref<5x!tpu.dma_semaphore, #tpu.memory_space<semaphore_mem>> -> memref<1x!tpu.dma_semaphore, #tpu.memory_space<semaphore_mem>>
      %dma_wait3A_972 = tpu.memref_squeeze %dma_wait3A_971 : memref<1x!tpu.dma_semaphore, #tpu.memory_space<semaphore_mem>> -> memref<!tpu.dma_semaphore, #tpu.memory_space<semaphore_mem>>
      tpu.wait_indirect_dma semaphore(%dma_wait3A_972 : memref<!tpu.dma_semaphore, #tpu.memory_space<semaphore_mem>>) src(%dma_wait3A_970 : memref<100000x128xf32, #tpu.memory_space<hbm>>) dst(%dma_wait3A_964 : memref<128x128xf32, #tpu.memory_space<vmem>>)
      %dma_start3A_973 = arith.constant 3 : i32
      %dma_start3A_974 = arith.constant 3 : i32
      %dma_start3A_975 = arith.constant 0 : i32
      %dma_start3A_976 = arith.constant 0 : i32
      %dma_start3A_977 = tpu.memref_slice %arg6[%dma_start3A_973, %dma_start3A_975, %dma_start3A_976] : memref<5x128x128xf32, #tpu.memory_space<vmem>> -> memref<1x128x128xf32, #tpu.memory_space<vmem>>
      %dma_start3A_978 = tpu.memref_squeeze %dma_start3A_977 : memref<1x128x128xf32, #tpu.memory_space<vmem>> -> memref<128x128xf32, #tpu.memory_space<vmem>>
      %dma_start3A_979 = arith.constant 0 : i32
      %dma_start3A_980 = arith.constant 0 : i32
      %dma_start3A_981 = tpu.memref_slice %arg4[%add3A, %add3A_958, %dma_start3A_979, %dma_start3A_980] : memref<32x50x128x128xf32, #tpu.memory_space<hbm>> -> memref<1x1x128x128xf32, #tpu.memory_space<hbm>>
      %dma_start3A_982 = tpu.memref_squeeze %dma_start3A_981 : memref<1x1x128x128xf32, #tpu.memory_space<hbm>> -> memref<128x128xf32, #tpu.memory_space<hbm>>
      %dma_start3A_983 = tpu.memref_slice %arg8[%dma_start3A_974] : memref<5x!tpu.dma_semaphore, #tpu.memory_space<semaphore_mem>> -> memref<1x!tpu.dma_semaphore, #tpu.memory_space<semaphore_mem>>
      %dma_start3A_984 = tpu.memref_squeeze %dma_start3A_983 : memref<1x!tpu.dma_semaphore, #tpu.memory_space<semaphore_mem>> -> memref<!tpu.dma_semaphore, #tpu.memory_space<semaphore_mem>>
      %dma_start3A_985 = arith.constant 0 : i32
      %dma_start3A_986 = arith.constant 0 : i32
      %dma_start3A_987 = tpu.memref_slice %arg4[%add3A, %add3A_958, %dma_start3A_985, %dma_start3A_986] : memref<32x50x128x128xf32, #tpu.memory_space<hbm>> -> memref<1x1x128x128xf32, #tpu.memory_space<hbm>>
      %dma_start3A_988 = tpu.memref_squeeze %dma_start3A_987 : memref<1x1x128x128xf32, #tpu.memory_space<hbm>> -> memref<128x128xf32, #tpu.memory_space<hbm>>
      %dma_start3A_989 = arith.constant 0 : i32
      %dma_start3A_990 = arith.constant 0 : i32
      %dma_start3A_991 = tpu.memref_slice %arg6[%dma_start3A_973, %dma_start3A_989, %dma_start3A_990] : memref<5x128x128xf32, #tpu.memory_space<vmem>> -> memref<1x128x128xf32, #tpu.memory_space<vmem>>
      %dma_start3A_992 = tpu.memref_squeeze %dma_start3A_991 : memref<1x128x128xf32, #tpu.memory_space<vmem>> -> memref<128x128xf32, #tpu.memory_space<vmem>>
      tpu.enqueue_dma source(%dma_start3A_992 : memref<128x128xf32, #tpu.memory_space<vmem>>) target(%dma_start3A_988 : memref<128x128xf32, #tpu.memory_space<hbm>>) target_semaphore(%dma_start3A_984 : memref<!tpu.dma_semaphore, #tpu.memory_space<semaphore_mem>>)
      %add3A_993 = arith.constant 2 : i32
      %add3A_994 = arith.addi %add3A_958, %add3A_993 : i32
      %sub3A_995 = arith.constant 5 : i32
      %sub3A_996 = arith.subi %add3A_994, %sub3A_995 : i32
      %dma_wait3A_997 = arith.constant 0 : i32
      %dma_wait3A_998 = arith.constant 0 : i32
      %dma_wait3A_999 = arith.constant 0 : i32
      %dma_wait3A_1000 = arith.constant 0 : i32
      %dma_wait3A_1001 = tpu.memref_slice %arg6[%dma_wait3A_997, %dma_wait3A_999, %dma_wait3A_1000] : memref<5x128x128xf32, #tpu.memory_space<vmem>> -> memref<1x128x128xf32, #tpu.memory_space<vmem>>
      %dma_wait3A_1002 = tpu.memref_squeeze %dma_wait3A_1001 : memref<1x128x128xf32, #tpu.memory_space<vmem>> -> memref<128x128xf32, #tpu.memory_space<vmem>>
      %dma_wait3A_1003 = arith.constant 0 : i32
      %dma_wait3A_1004 = arith.constant 0 : i32
      %dma_wait3A_1005 = tpu.memref_slice %arg4[%add3A, %sub3A_996, %dma_wait3A_1003, %dma_wait3A_1004] : memref<32x50x128x128xf32, #tpu.memory_space<hbm>> -> memref<1x1x128x128xf32, #tpu.memory_space<hbm>>
      %dma_wait3A_1006 = tpu.memref_squeeze %dma_wait3A_1005 : memref<1x1x128x128xf32, #tpu.memory_space<hbm>> -> memref<128x128xf32, #tpu.memory_space<hbm>>
      %dma_wait3A_1007 = tpu.memref_slice %arg8[%dma_wait3A_998] : memref<5x!tpu.dma_semaphore, #tpu.memory_space<semaphore_mem>> -> memref<1x!tpu.dma_semaphore, #tpu.memory_space<semaphore_mem>>
      %dma_wait3A_1008 = tpu.memref_squeeze %dma_wait3A_1007 : memref<1x!tpu.dma_semaphore, #tpu.memory_space<semaphore_mem>> -> memref<!tpu.dma_semaphore, #tpu.memory_space<semaphore_mem>>
      %dma_wait3A_1009 = arith.constant 0 : i32
      %dma_wait3A_1010 = arith.constant 0 : i32
      %dma_wait3A_1011 = tpu.memref_slice %arg4[%add3A, %sub3A_996, %dma_wait3A_1009, %dma_wait3A_1010] : memref<32x50x128x128xf32, #tpu.memory_space<hbm>> -> memref<1x1x128x128xf32, #tpu.memory_space<hbm>>
      %dma_wait3A_1012 = tpu.memref_squeeze %dma_wait3A_1011 : memref<1x1x128x128xf32, #tpu.memory_space<hbm>> -> memref<128x128xf32, #tpu.memory_space<hbm>>
      %dma_wait3A_1013 = arith.constant 0 : i32
      %dma_wait3A_1014 = arith.constant 0 : i32
      %dma_wait3A_1015 = tpu.memref_slice %arg6[%dma_wait3A_997, %dma_wait3A_1013, %dma_wait3A_1014] : memref<5x128x128xf32, #tpu.memory_space<vmem>> -> memref<1x128x128xf32, #tpu.memory_space<vmem>>
      %dma_wait3A_1016 = tpu.memref_squeeze %dma_wait3A_1015 : memref<1x128x128xf32, #tpu.memory_space<vmem>> -> memref<128x128xf32, #tpu.memory_space<vmem>>
      tpu.wait_dma2 semaphore(%dma_wait3A_1008 : memref<!tpu.dma_semaphore, #tpu.memory_space<semaphore_mem>>) src(%dma_wait3A_1016 : memref<128x128xf32, #tpu.memory_space<vmem>>) dst(%dma_wait3A_1012 : memref<128x128xf32, #tpu.memory_space<hbm>>)
      %add3A_1017 = arith.constant 2 : i32
      %add3A_1018 = arith.addi %add3A_958, %add3A_1017 : i32
      %dma_start3A_1019 = arith.constant 0 : i32
      %dma_start3A_1020 = arith.constant 0 : i32
      %dma_start3A_1021 = arith.constant 0 : i32
      %dma_start3A_1022 = arith.constant 0 : i32
      %dma_start3A_1023 = tpu.memref_slice %arg6[%dma_start3A_1019, %dma_start3A_1021, %dma_start3A_1022] : memref<5x128x128xf32, #tpu.memory_space<vmem>> -> memref<1x128x128xf32, #tpu.memory_space<vmem>>
      %dma_start3A_1024 = tpu.memref_squeeze %dma_start3A_1023 : memref<1x128x128xf32, #tpu.memory_space<vmem>> -> memref<128x128xf32, #tpu.memory_space<vmem>>
      %dma_start3A_1025 = arith.constant 0 : i32
      %dma_start3A_1026 = tpu.memref_slice %arg5[%add3A_1018, %dma_start3A_1025] : memref<50x128xi32, #tpu.memory_space<vmem>> -> memref<1x128xi32, #tpu.memory_space<vmem>>
      %dma_start3A_1027 = tpu.memref_squeeze %dma_start3A_1026 : memref<1x128xi32, #tpu.memory_space<vmem>> -> memref<128xi32, #tpu.memory_space<vmem>>
      %dma_start3A_1028 = arith.constant 0 : i32
      %dma_start3A_1029 = arith.constant 0 : i32
      %dma_start3A_1030 = tpu.memref_slice %arg3[%dma_start3A_1028, %dma_start3A_1029] : memref<100000x128xf32, #tpu.memory_space<hbm>> -> memref<100000x128xf32, #tpu.memory_space<hbm>>
      %dma_start3A_1031 = tpu.memref_slice %arg7[%dma_start3A_1020] : memref<5x!tpu.dma_semaphore, #tpu.memory_space<semaphore_mem>> -> memref<1x!tpu.dma_semaphore, #tpu.memory_space<semaphore_mem>>
      %dma_start3A_1032 = tpu.memref_squeeze %dma_start3A_1031 : memref<1x!tpu.dma_semaphore, #tpu.memory_space<semaphore_mem>> -> memref<!tpu.dma_semaphore, #tpu.memory_space<semaphore_mem>>
      tpu.enqueue_indirect_dma source(%dma_start3A_1030 : memref<100000x128xf32, #tpu.memory_space<hbm>>) target(%dma_start3A_1024 : memref<128x128xf32, #tpu.memory_space<vmem>>) offsets(%dma_start3A_1027 : memref<128xi32, #tpu.memory_space<vmem>>) semaphore(%dma_start3A_1032 : memref<!tpu.dma_semaphore, #tpu.memory_space<semaphore_mem>>)
      %add3A_1033 = arith.constant 4 : i32
      %add3A_1034 = arith.addi %mul3A_729, %add3A_1033 : i32
      %dma_wait3A_1035 = arith.constant 4 : i32
      %dma_wait3A_1036 = arith.constant 4 : i32
      %dma_wait3A_1037 = arith.constant 0 : i32
      %dma_wait3A_1038 = arith.constant 0 : i32
      %dma_wait3A_1039 = tpu.memref_slice %arg6[%dma_wait3A_1035, %dma_wait3A_1037, %dma_wait3A_1038] : memref<5x128x128xf32, #tpu.memory_space<vmem>> -> memref<1x128x128xf32, #tpu.memory_space<vmem>>
      %dma_wait3A_1040 = tpu.memref_squeeze %dma_wait3A_1039 : memref<1x128x128xf32, #tpu.memory_space<vmem>> -> memref<128x128xf32, #tpu.memory_space<vmem>>
      %dma_wait3A_1041 = arith.constant 0 : i32
      %dma_wait3A_1042 = tpu.memref_slice %arg5[%add3A_1034, %dma_wait3A_1041] : memref<50x128xi32, #tpu.memory_space<vmem>> -> memref<1x128xi32, #tpu.memory_space<vmem>>
      %dma_wait3A_1043 = tpu.memref_squeeze %dma_wait3A_1042 : memref<1x128xi32, #tpu.memory_space<vmem>> -> memref<128xi32, #tpu.memory_space<vmem>>
      %dma_wait3A_1044 = arith.constant 0 : i32
      %dma_wait3A_1045 = arith.constant 0 : i32
      %dma_wait3A_1046 = tpu.memref_slice %arg3[%dma_wait3A_1044, %dma_wait3A_1045] : memref<100000x128xf32, #tpu.memory_space<hbm>> -> memref<100000x128xf32, #tpu.memory_space<hbm>>
      %dma_wait3A_1047 = tpu.memref_slice %arg7[%dma_wait3A_1036] : memref<5x!tpu.dma_semaphore, #tpu.memory_space<semaphore_mem>> -> memref<1x!tpu.dma_semaphore, #tpu.memory_space<semaphore_mem>>
      %dma_wait3A_1048 = tpu.memref_squeeze %dma_wait3A_1047 : memref<1x!tpu.dma_semaphore, #tpu.memory_space<semaphore_mem>> -> memref<!tpu.dma_semaphore, #tpu.memory_space<semaphore_mem>>
      tpu.wait_indirect_dma semaphore(%dma_wait3A_1048 : memref<!tpu.dma_semaphore, #tpu.memory_space<semaphore_mem>>) src(%dma_wait3A_1046 : memref<100000x128xf32, #tpu.memory_space<hbm>>) dst(%dma_wait3A_1040 : memref<128x128xf32, #tpu.memory_space<vmem>>)
      %dma_start3A_1049 = arith.constant 4 : i32
      %dma_start3A_1050 = arith.constant 4 : i32
      %dma_start3A_1051 = arith.constant 0 : i32
      %dma_start3A_1052 = arith.constant 0 : i32
      %dma_start3A_1053 = tpu.memref_slice %arg6[%dma_start3A_1049, %dma_start3A_1051, %dma_start3A_1052] : memref<5x128x128xf32, #tpu.memory_space<vmem>> -> memref<1x128x128xf32, #tpu.memory_space<vmem>>
      %dma_start3A_1054 = tpu.memref_squeeze %dma_start3A_1053 : memref<1x128x128xf32, #tpu.memory_space<vmem>> -> memref<128x128xf32, #tpu.memory_space<vmem>>
      %dma_start3A_1055 = arith.constant 0 : i32
      %dma_start3A_1056 = arith.constant 0 : i32
      %dma_start3A_1057 = tpu.memref_slice %arg4[%add3A, %add3A_1034, %dma_start3A_1055, %dma_start3A_1056] : memref<32x50x128x128xf32, #tpu.memory_space<hbm>> -> memref<1x1x128x128xf32, #tpu.memory_space<hbm>>
      %dma_start3A_1058 = tpu.memref_squeeze %dma_start3A_1057 : memref<1x1x128x128xf32, #tpu.memory_space<hbm>> -> memref<128x128xf32, #tpu.memory_space<hbm>>
      %dma_start3A_1059 = tpu.memref_slice %arg8[%dma_start3A_1050] : memref<5x!tpu.dma_semaphore, #tpu.memory_space<semaphore_mem>> -> memref<1x!tpu.dma_semaphore, #tpu.memory_space<semaphore_mem>>
      %dma_start3A_1060 = tpu.memref_squeeze %dma_start3A_1059 : memref<1x!tpu.dma_semaphore, #tpu.memory_space<semaphore_mem>> -> memref<!tpu.dma_semaphore, #tpu.memory_space<semaphore_mem>>
      %dma_start3A_1061 = arith.constant 0 : i32
      %dma_start3A_1062 = arith.constant 0 : i32
      %dma_start3A_1063 = tpu.memref_slice %arg4[%add3A, %add3A_1034, %dma_start3A_1061, %dma_start3A_1062] : memref<32x50x128x128xf32, #tpu.memory_space<hbm>> -> memref<1x1x128x128xf32, #tpu.memory_space<hbm>>
      %dma_start3A_1064 = tpu.memref_squeeze %dma_start3A_1063 : memref<1x1x128x128xf32, #tpu.memory_space<hbm>> -> memref<128x128xf32, #tpu.memory_space<hbm>>
      %dma_start3A_1065 = arith.constant 0 : i32
      %dma_start3A_1066 = arith.constant 0 : i32
      %dma_start3A_1067 = tpu.memref_slice %arg6[%dma_start3A_1049, %dma_start3A_1065, %dma_start3A_1066] : memref<5x128x128xf32, #tpu.memory_space<vmem>> -> memref<1x128x128xf32, #tpu.memory_space<vmem>>
      %dma_start3A_1068 = tpu.memref_squeeze %dma_start3A_1067 : memref<1x128x128xf32, #tpu.memory_space<vmem>> -> memref<128x128xf32, #tpu.memory_space<vmem>>
      tpu.enqueue_dma source(%dma_start3A_1068 : memref<128x128xf32, #tpu.memory_space<vmem>>) target(%dma_start3A_1064 : memref<128x128xf32, #tpu.memory_space<hbm>>) target_semaphore(%dma_start3A_1060 : memref<!tpu.dma_semaphore, #tpu.memory_space<semaphore_mem>>)
      %add3A_1069 = arith.constant 2 : i32
      %add3A_1070 = arith.addi %add3A_1034, %add3A_1069 : i32
      %sub3A_1071 = arith.constant 5 : i32
      %sub3A_1072 = arith.subi %add3A_1070, %sub3A_1071 : i32
      %dma_wait3A_1073 = arith.constant 1 : i32
      %dma_wait3A_1074 = arith.constant 1 : i32
      %dma_wait3A_1075 = arith.constant 0 : i32
      %dma_wait3A_1076 = arith.constant 0 : i32
      %dma_wait3A_1077 = tpu.memref_slice %arg6[%dma_wait3A_1073, %dma_wait3A_1075, %dma_wait3A_1076] : memref<5x128x128xf32, #tpu.memory_space<vmem>> -> memref<1x128x128xf32, #tpu.memory_space<vmem>>
      %dma_wait3A_1078 = tpu.memref_squeeze %dma_wait3A_1077 : memref<1x128x128xf32, #tpu.memory_space<vmem>> -> memref<128x128xf32, #tpu.memory_space<vmem>>
      %dma_wait3A_1079 = arith.constant 0 : i32
      %dma_wait3A_1080 = arith.constant 0 : i32
      %dma_wait3A_1081 = tpu.memref_slice %arg4[%add3A, %sub3A_1072, %dma_wait3A_1079, %dma_wait3A_1080] : memref<32x50x128x128xf32, #tpu.memory_space<hbm>> -> memref<1x1x128x128xf32, #tpu.memory_space<hbm>>
      %dma_wait3A_1082 = tpu.memref_squeeze %dma_wait3A_1081 : memref<1x1x128x128xf32, #tpu.memory_space<hbm>> -> memref<128x128xf32, #tpu.memory_space<hbm>>
      %dma_wait3A_1083 = tpu.memref_slice %arg8[%dma_wait3A_1074] : memref<5x!tpu.dma_semaphore, #tpu.memory_space<semaphore_mem>> -> memref<1x!tpu.dma_semaphore, #tpu.memory_space<semaphore_mem>>
      %dma_wait3A_1084 = tpu.memref_squeeze %dma_wait3A_1083 : memref<1x!tpu.dma_semaphore, #tpu.memory_space<semaphore_mem>> -> memref<!tpu.dma_semaphore, #tpu.memory_space<semaphore_mem>>
      %dma_wait3A_1085 = arith.constant 0 : i32
      %dma_wait3A_1086 = arith.constant 0 : i32
      %dma_wait3A_1087 = tpu.memref_slice %arg4[%add3A, %sub3A_1072, %dma_wait3A_1085, %dma_wait3A_1086] : memref<32x50x128x128xf32, #tpu.memory_space<hbm>> -> memref<1x1x128x128xf32, #tpu.memory_space<hbm>>
      %dma_wait3A_1088 = tpu.memref_squeeze %dma_wait3A_1087 : memref<1x1x128x128xf32, #tpu.memory_space<hbm>> -> memref<128x128xf32, #tpu.memory_space<hbm>>
      %dma_wait3A_1089 = arith.constant 0 : i32
      %dma_wait3A_1090 = arith.constant 0 : i32
      %dma_wait3A_1091 = tpu.memref_slice %arg6[%dma_wait3A_1073, %dma_wait3A_1089, %dma_wait3A_1090] : memref<5x128x128xf32, #tpu.memory_space<vmem>> -> memref<1x128x128xf32, #tpu.memory_space<vmem>>
      %dma_wait3A_1092 = tpu.memref_squeeze %dma_wait3A_1091 : memref<1x128x128xf32, #tpu.memory_space<vmem>> -> memref<128x128xf32, #tpu.memory_space<vmem>>
      tpu.wait_dma2 semaphore(%dma_wait3A_1084 : memref<!tpu.dma_semaphore, #tpu.memory_space<semaphore_mem>>) src(%dma_wait3A_1092 : memref<128x128xf32, #tpu.memory_space<vmem>>) dst(%dma_wait3A_1088 : memref<128x128xf32, #tpu.memory_space<hbm>>)
      %add3A_1093 = arith.constant 2 : i32
      %add3A_1094 = arith.addi %add3A_1034, %add3A_1093 : i32
      %dma_start3A_1095 = arith.constant 1 : i32
      %dma_start3A_1096 = arith.constant 1 : i32
      %dma_start3A_1097 = arith.constant 0 : i32
      %dma_start3A_1098 = arith.constant 0 : i32
      %dma_start3A_1099 = tpu.memref_slice %arg6[%dma_start3A_1095, %dma_start3A_1097, %dma_start3A_1098] : memref<5x128x128xf32, #tpu.memory_space<vmem>> -> memref<1x128x128xf32, #tpu.memory_space<vmem>>
      %dma_start3A_1100 = tpu.memref_squeeze %dma_start3A_1099 : memref<1x128x128xf32, #tpu.memory_space<vmem>> -> memref<128x128xf32, #tpu.memory_space<vmem>>
      %dma_start3A_1101 = arith.constant 0 : i32
      %dma_start3A_1102 = tpu.memref_slice %arg5[%add3A_1094, %dma_start3A_1101] : memref<50x128xi32, #tpu.memory_space<vmem>> -> memref<1x128xi32, #tpu.memory_space<vmem>>
      %dma_start3A_1103 = tpu.memref_squeeze %dma_start3A_1102 : memref<1x128xi32, #tpu.memory_space<vmem>> -> memref<128xi32, #tpu.memory_space<vmem>>
      %dma_start3A_1104 = arith.constant 0 : i32
      %dma_start3A_1105 = arith.constant 0 : i32
      %dma_start3A_1106 = tpu.memref_slice %arg3[%dma_start3A_1104, %dma_start3A_1105] : memref<100000x128xf32, #tpu.memory_space<hbm>> -> memref<100000x128xf32, #tpu.memory_space<hbm>>
      %dma_start3A_1107 = tpu.memref_slice %arg7[%dma_start3A_1096] : memref<5x!tpu.dma_semaphore, #tpu.memory_space<semaphore_mem>> -> memref<1x!tpu.dma_semaphore, #tpu.memory_space<semaphore_mem>>
      %dma_start3A_1108 = tpu.memref_squeeze %dma_start3A_1107 : memref<1x!tpu.dma_semaphore, #tpu.memory_space<semaphore_mem>> -> memref<!tpu.dma_semaphore, #tpu.memory_space<semaphore_mem>>
      tpu.enqueue_indirect_dma source(%dma_start3A_1106 : memref<100000x128xf32, #tpu.memory_space<hbm>>) target(%dma_start3A_1100 : memref<128x128xf32, #tpu.memory_space<vmem>>) offsets(%dma_start3A_1103 : memref<128xi32, #tpu.memory_space<vmem>>) semaphore(%dma_start3A_1108 : memref<!tpu.dma_semaphore, #tpu.memory_space<semaphore_mem>>)
    }
    %scan3A_329 = arith.constant 8 : i32
    %dma_wait3A_330 = arith.constant 45 : i32
    %dma_wait3A_331 = arith.constant 0 : i32
    %dma_wait3A_332 = arith.constant 0 : i32
    %dma_wait3A_333 = arith.constant 0 : i32
    %dma_wait3A_334 = arith.constant 0 : i32
    %dma_wait3A_335 = tpu.memref_slice %arg6[%dma_wait3A_331, %dma_wait3A_333, %dma_wait3A_334] : memref<5x128x128xf32, #tpu.memory_space<vmem>> -> memref<1x128x128xf32, #tpu.memory_space<vmem>>
    %dma_wait3A_336 = tpu.memref_squeeze %dma_wait3A_335 : memref<1x128x128xf32, #tpu.memory_space<vmem>> -> memref<128x128xf32, #tpu.memory_space<vmem>>
    %dma_wait3A_337 = arith.constant 0 : i32
    %dma_wait3A_338 = tpu.memref_slice %arg5[%dma_wait3A_330, %dma_wait3A_337] : memref<50x128xi32, #tpu.memory_space<vmem>> -> memref<1x128xi32, #tpu.memory_space<vmem>>
    %dma_wait3A_339 = tpu.memref_squeeze %dma_wait3A_338 : memref<1x128xi32, #tpu.memory_space<vmem>> -> memref<128xi32, #tpu.memory_space<vmem>>
    %dma_wait3A_340 = arith.constant 0 : i32
    %dma_wait3A_341 = arith.constant 0 : i32
    %dma_wait3A_342 = tpu.memref_slice %arg3[%dma_wait3A_340, %dma_wait3A_341] : memref<100000x128xf32, #tpu.memory_space<hbm>> -> memref<100000x128xf32, #tpu.memory_space<hbm>>
    %dma_wait3A_343 = tpu.memref_slice %arg7[%dma_wait3A_332] : memref<5x!tpu.dma_semaphore, #tpu.memory_space<semaphore_mem>> -> memref<1x!tpu.dma_semaphore, #tpu.memory_space<semaphore_mem>>
    %dma_wait3A_344 = tpu.memref_squeeze %dma_wait3A_343 : memref<1x!tpu.dma_semaphore, #tpu.memory_space<semaphore_mem>> -> memref<!tpu.dma_semaphore, #tpu.memory_space<semaphore_mem>>
    tpu.wait_indirect_dma semaphore(%dma_wait3A_344 : memref<!tpu.dma_semaphore, #tpu.memory_space<semaphore_mem>>) src(%dma_wait3A_342 : memref<100000x128xf32, #tpu.memory_space<hbm>>) dst(%dma_wait3A_336 : memref<128x128xf32, #tpu.memory_space<vmem>>)
    %dma_start3A_345 = arith.constant 0 : i32
    %dma_start3A_346 = arith.constant 45 : i32
    %dma_start3A_347 = arith.constant 0 : i32
    %dma_start3A_348 = arith.constant 0 : i32
    %dma_start3A_349 = arith.constant 0 : i32
    %dma_start3A_350 = tpu.memref_slice %arg6[%dma_start3A_345, %dma_start3A_348, %dma_start3A_349] : memref<5x128x128xf32, #tpu.memory_space<vmem>> -> memref<1x128x128xf32, #tpu.memory_space<vmem>>
    %dma_start3A_351 = tpu.memref_squeeze %dma_start3A_350 : memref<1x128x128xf32, #tpu.memory_space<vmem>> -> memref<128x128xf32, #tpu.memory_space<vmem>>
    %dma_start3A_352 = arith.constant 0 : i32
    %dma_start3A_353 = arith.constant 0 : i32
    %dma_start3A_354 = tpu.memref_slice %arg4[%add3A, %dma_start3A_346, %dma_start3A_352, %dma_start3A_353] : memref<32x50x128x128xf32, #tpu.memory_space<hbm>> -> memref<1x1x128x128xf32, #tpu.memory_space<hbm>>
    %dma_start3A_355 = tpu.memref_squeeze %dma_start3A_354 : memref<1x1x128x128xf32, #tpu.memory_space<hbm>> -> memref<128x128xf32, #tpu.memory_space<hbm>>
    %dma_start3A_356 = tpu.memref_slice %arg8[%dma_start3A_347] : memref<5x!tpu.dma_semaphore, #tpu.memory_space<semaphore_mem>> -> memref<1x!tpu.dma_semaphore, #tpu.memory_space<semaphore_mem>>
    %dma_start3A_357 = tpu.memref_squeeze %dma_start3A_356 : memref<1x!tpu.dma_semaphore, #tpu.memory_space<semaphore_mem>> -> memref<!tpu.dma_semaphore, #tpu.memory_space<semaphore_mem>>
    %dma_start3A_358 = arith.constant 0 : i32
    %dma_start3A_359 = arith.constant 0 : i32
    %dma_start3A_360 = tpu.memref_slice %arg4[%add3A, %dma_start3A_346, %dma_start3A_358, %dma_start3A_359] : memref<32x50x128x128xf32, #tpu.memory_space<hbm>> -> memref<1x1x128x128xf32, #tpu.memory_space<hbm>>
    %dma_start3A_361 = tpu.memref_squeeze %dma_start3A_360 : memref<1x1x128x128xf32, #tpu.memory_space<hbm>> -> memref<128x128xf32, #tpu.memory_space<hbm>>
    %dma_start3A_362 = arith.constant 0 : i32
    %dma_start3A_363 = arith.constant 0 : i32
    %dma_start3A_364 = tpu.memref_slice %arg6[%dma_start3A_345, %dma_start3A_362, %dma_start3A_363] : memref<5x128x128xf32, #tpu.memory_space<vmem>> -> memref<1x128x128xf32, #tpu.memory_space<vmem>>
    %dma_start3A_365 = tpu.memref_squeeze %dma_start3A_364 : memref<1x128x128xf32, #tpu.memory_space<vmem>> -> memref<128x128xf32, #tpu.memory_space<vmem>>
    tpu.enqueue_dma source(%dma_start3A_365 : memref<128x128xf32, #tpu.memory_space<vmem>>) target(%dma_start3A_361 : memref<128x128xf32, #tpu.memory_space<hbm>>) target_semaphore(%dma_start3A_357 : memref<!tpu.dma_semaphore, #tpu.memory_space<semaphore_mem>>)
    %dma_wait3A_366 = arith.constant 2 : i32
    %dma_wait3A_367 = arith.constant 42 : i32
    %dma_wait3A_368 = arith.constant 2 : i32
    %dma_wait3A_369 = arith.constant 0 : i32
    %dma_wait3A_370 = arith.constant 0 : i32
    %dma_wait3A_371 = tpu.memref_slice %arg6[%dma_wait3A_366, %dma_wait3A_369, %dma_wait3A_370] : memref<5x128x128xf32, #tpu.memory_space<vmem>> -> memref<1x128x128xf32, #tpu.memory_space<vmem>>
    %dma_wait3A_372 = tpu.memref_squeeze %dma_wait3A_371 : memref<1x128x128xf32, #tpu.memory_space<vmem>> -> memref<128x128xf32, #tpu.memory_space<vmem>>
    %dma_wait3A_373 = arith.constant 0 : i32
    %dma_wait3A_374 = arith.constant 0 : i32
    %dma_wait3A_375 = tpu.memref_slice %arg4[%add3A, %dma_wait3A_367, %dma_wait3A_373, %dma_wait3A_374] : memref<32x50x128x128xf32, #tpu.memory_space<hbm>> -> memref<1x1x128x128xf32, #tpu.memory_space<hbm>>
    %dma_wait3A_376 = tpu.memref_squeeze %dma_wait3A_375 : memref<1x1x128x128xf32, #tpu.memory_space<hbm>> -> memref<128x128xf32, #tpu.memory_space<hbm>>
    %dma_wait3A_377 = tpu.memref_slice %arg8[%dma_wait3A_368] : memref<5x!tpu.dma_semaphore, #tpu.memory_space<semaphore_mem>> -> memref<1x!tpu.dma_semaphore, #tpu.memory_space<semaphore_mem>>
    %dma_wait3A_378 = tpu.memref_squeeze %dma_wait3A_377 : memref<1x!tpu.dma_semaphore, #tpu.memory_space<semaphore_mem>> -> memref<!tpu.dma_semaphore, #tpu.memory_space<semaphore_mem>>
    %dma_wait3A_379 = arith.constant 0 : i32
    %dma_wait3A_380 = arith.constant 0 : i32
    %dma_wait3A_381 = tpu.memref_slice %arg4[%add3A, %dma_wait3A_367, %dma_wait3A_379, %dma_wait3A_380] : memref<32x50x128x128xf32, #tpu.memory_space<hbm>> -> memref<1x1x128x128xf32, #tpu.memory_space<hbm>>
    %dma_wait3A_382 = tpu.memref_squeeze %dma_wait3A_381 : memref<1x1x128x128xf32, #tpu.memory_space<hbm>> -> memref<128x128xf32, #tpu.memory_space<hbm>>
    %dma_wait3A_383 = arith.constant 0 : i32
    %dma_wait3A_384 = arith.constant 0 : i32
    %dma_wait3A_385 = tpu.memref_slice %arg6[%dma_wait3A_366, %dma_wait3A_383, %dma_wait3A_384] : memref<5x128x128xf32, #tpu.memory_space<vmem>> -> memref<1x128x128xf32, #tpu.memory_space<vmem>>
    %dma_wait3A_386 = tpu.memref_squeeze %dma_wait3A_385 : memref<1x128x128xf32, #tpu.memory_space<vmem>> -> memref<128x128xf32, #tpu.memory_space<vmem>>
    tpu.wait_dma2 semaphore(%dma_wait3A_378 : memref<!tpu.dma_semaphore, #tpu.memory_space<semaphore_mem>>) src(%dma_wait3A_386 : memref<128x128xf32, #tpu.memory_space<vmem>>) dst(%dma_wait3A_382 : memref<128x128xf32, #tpu.memory_space<hbm>>)
    %dma_start3A_387 = arith.constant 47 : i32
    %dma_start3A_388 = arith.constant 2 : i32
    %dma_start3A_389 = arith.constant 2 : i32
    %dma_start3A_390 = arith.constant 0 : i32
    %dma_start3A_391 = arith.constant 0 : i32
    %dma_start3A_392 = tpu.memref_slice %arg6[%dma_start3A_388, %dma_start3A_390, %dma_start3A_391] : memref<5x128x128xf32, #tpu.memory_space<vmem>> -> memref<1x128x128xf32, #tpu.memory_space<vmem>>
    %dma_start3A_393 = tpu.memref_squeeze %dma_start3A_392 : memref<1x128x128xf32, #tpu.memory_space<vmem>> -> memref<128x128xf32, #tpu.memory_space<vmem>>
    %dma_start3A_394 = arith.constant 0 : i32
    %dma_start3A_395 = tpu.memref_slice %arg5[%dma_start3A_387, %dma_start3A_394] : memref<50x128xi32, #tpu.memory_space<vmem>> -> memref<1x128xi32, #tpu.memory_space<vmem>>
    %dma_start3A_396 = tpu.memref_squeeze %dma_start3A_395 : memref<1x128xi32, #tpu.memory_space<vmem>> -> memref<128xi32, #tpu.memory_space<vmem>>
    %dma_start3A_397 = arith.constant 0 : i32
    %dma_start3A_398 = arith.constant 0 : i32
    %dma_start3A_399 = tpu.memref_slice %arg3[%dma_start3A_397, %dma_start3A_398] : memref<100000x128xf32, #tpu.memory_space<hbm>> -> memref<100000x128xf32, #tpu.memory_space<hbm>>
    %dma_start3A_400 = tpu.memref_slice %arg7[%dma_start3A_389] : memref<5x!tpu.dma_semaphore, #tpu.memory_space<semaphore_mem>> -> memref<1x!tpu.dma_semaphore, #tpu.memory_space<semaphore_mem>>
    %dma_start3A_401 = tpu.memref_squeeze %dma_start3A_400 : memref<1x!tpu.dma_semaphore, #tpu.memory_space<semaphore_mem>> -> memref<!tpu.dma_semaphore, #tpu.memory_space<semaphore_mem>>
    tpu.enqueue_indirect_dma source(%dma_start3A_399 : memref<100000x128xf32, #tpu.memory_space<hbm>>) target(%dma_start3A_393 : memref<128x128xf32, #tpu.memory_space<vmem>>) offsets(%dma_start3A_396 : memref<128xi32, #tpu.memory_space<vmem>>) semaphore(%dma_start3A_401 : memref<!tpu.dma_semaphore, #tpu.memory_space<semaphore_mem>>)
    %dma_wait3A_402 = arith.constant 46 : i32
    %dma_wait3A_403 = arith.constant 1 : i32
    %dma_wait3A_404 = arith.constant 1 : i32
    %dma_wait3A_405 = arith.constant 0 : i32
    %dma_wait3A_406 = arith.constant 0 : i32
    %dma_wait3A_407 = tpu.memref_slice %arg6[%dma_wait3A_403, %dma_wait3A_405, %dma_wait3A_406] : memref<5x128x128xf32, #tpu.memory_space<vmem>> -> memref<1x128x128xf32, #tpu.memory_space<vmem>>
    %dma_wait3A_408 = tpu.memref_squeeze %dma_wait3A_407 : memref<1x128x128xf32, #tpu.memory_space<vmem>> -> memref<128x128xf32, #tpu.memory_space<vmem>>
    %dma_wait3A_409 = arith.constant 0 : i32
    %dma_wait3A_410 = tpu.memref_slice %arg5[%dma_wait3A_402, %dma_wait3A_409] : memref<50x128xi32, #tpu.memory_space<vmem>> -> memref<1x128xi32, #tpu.memory_space<vmem>>
    %dma_wait3A_411 = tpu.memref_squeeze %dma_wait3A_410 : memref<1x128xi32, #tpu.memory_space<vmem>> -> memref<128xi32, #tpu.memory_space<vmem>>
    %dma_wait3A_412 = arith.constant 0 : i32
    %dma_wait3A_413 = arith.constant 0 : i32
    %dma_wait3A_414 = tpu.memref_slice %arg3[%dma_wait3A_412, %dma_wait3A_413] : memref<100000x128xf32, #tpu.memory_space<hbm>> -> memref<100000x128xf32, #tpu.memory_space<hbm>>
    %dma_wait3A_415 = tpu.memref_slice %arg7[%dma_wait3A_404] : memref<5x!tpu.dma_semaphore, #tpu.memory_space<semaphore_mem>> -> memref<1x!tpu.dma_semaphore, #tpu.memory_space<semaphore_mem>>
    %dma_wait3A_416 = tpu.memref_squeeze %dma_wait3A_415 : memref<1x!tpu.dma_semaphore, #tpu.memory_space<semaphore_mem>> -> memref<!tpu.dma_semaphore, #tpu.memory_space<semaphore_mem>>
    tpu.wait_indirect_dma semaphore(%dma_wait3A_416 : memref<!tpu.dma_semaphore, #tpu.memory_space<semaphore_mem>>) src(%dma_wait3A_414 : memref<100000x128xf32, #tpu.memory_space<hbm>>) dst(%dma_wait3A_408 : memref<128x128xf32, #tpu.memory_space<vmem>>)
    %dma_start3A_417 = arith.constant 1 : i32
    %dma_start3A_418 = arith.constant 46 : i32
    %dma_start3A_419 = arith.constant 1 : i32
    %dma_start3A_420 = arith.constant 0 : i32
    %dma_start3A_421 = arith.constant 0 : i32
    %dma_start3A_422 = tpu.memref_slice %arg6[%dma_start3A_417, %dma_start3A_420, %dma_start3A_421] : memref<5x128x128xf32, #tpu.memory_space<vmem>> -> memref<1x128x128xf32, #tpu.memory_space<vmem>>
    %dma_start3A_423 = tpu.memref_squeeze %dma_start3A_422 : memref<1x128x128xf32, #tpu.memory_space<vmem>> -> memref<128x128xf32, #tpu.memory_space<vmem>>
    %dma_start3A_424 = arith.constant 0 : i32
    %dma_start3A_425 = arith.constant 0 : i32
    %dma_start3A_426 = tpu.memref_slice %arg4[%add3A, %dma_start3A_418, %dma_start3A_424, %dma_start3A_425] : memref<32x50x128x128xf32, #tpu.memory_space<hbm>> -> memref<1x1x128x128xf32, #tpu.memory_space<hbm>>
    %dma_start3A_427 = tpu.memref_squeeze %dma_start3A_426 : memref<1x1x128x128xf32, #tpu.memory_space<hbm>> -> memref<128x128xf32, #tpu.memory_space<hbm>>
    %dma_start3A_428 = tpu.memref_slice %arg8[%dma_start3A_419] : memref<5x!tpu.dma_semaphore, #tpu.memory_space<semaphore_mem>> -> memref<1x!tpu.dma_semaphore, #tpu.memory_space<semaphore_mem>>
    %dma_start3A_429 = tpu.memref_squeeze %dma_start3A_428 : memref<1x!tpu.dma_semaphore, #tpu.memory_space<semaphore_mem>> -> memref<!tpu.dma_semaphore, #tpu.memory_space<semaphore_mem>>
    %dma_start3A_430 = arith.constant 0 : i32
    %dma_start3A_431 = arith.constant 0 : i32
    %dma_start3A_432 = tpu.memref_slice %arg4[%add3A, %dma_start3A_418, %dma_start3A_430, %dma_start3A_431] : memref<32x50x128x128xf32, #tpu.memory_space<hbm>> -> memref<1x1x128x128xf32, #tpu.memory_space<hbm>>
    %dma_start3A_433 = tpu.memref_squeeze %dma_start3A_432 : memref<1x1x128x128xf32, #tpu.memory_space<hbm>> -> memref<128x128xf32, #tpu.memory_space<hbm>>
    %dma_start3A_434 = arith.constant 0 : i32
    %dma_start3A_435 = arith.constant 0 : i32
    %dma_start3A_436 = tpu.memref_slice %arg6[%dma_start3A_417, %dma_start3A_434, %dma_start3A_435] : memref<5x128x128xf32, #tpu.memory_space<vmem>> -> memref<1x128x128xf32, #tpu.memory_space<vmem>>
    %dma_start3A_437 = tpu.memref_squeeze %dma_start3A_436 : memref<1x128x128xf32, #tpu.memory_space<vmem>> -> memref<128x128xf32, #tpu.memory_space<vmem>>
    tpu.enqueue_dma source(%dma_start3A_437 : memref<128x128xf32, #tpu.memory_space<vmem>>) target(%dma_start3A_433 : memref<128x128xf32, #tpu.memory_space<hbm>>) target_semaphore(%dma_start3A_429 : memref<!tpu.dma_semaphore, #tpu.memory_space<semaphore_mem>>)
    %dma_wait3A_438 = arith.constant 3 : i32
    %dma_wait3A_439 = arith.constant 43 : i32
    %dma_wait3A_440 = arith.constant 3 : i32
    %dma_wait3A_441 = arith.constant 0 : i32
    %dma_wait3A_442 = arith.constant 0 : i32
    %dma_wait3A_443 = tpu.memref_slice %arg6[%dma_wait3A_438, %dma_wait3A_441, %dma_wait3A_442] : memref<5x128x128xf32, #tpu.memory_space<vmem>> -> memref<1x128x128xf32, #tpu.memory_space<vmem>>
    %dma_wait3A_444 = tpu.memref_squeeze %dma_wait3A_443 : memref<1x128x128xf32, #tpu.memory_space<vmem>> -> memref<128x128xf32, #tpu.memory_space<vmem>>
    %dma_wait3A_445 = arith.constant 0 : i32
    %dma_wait3A_446 = arith.constant 0 : i32
    %dma_wait3A_447 = tpu.memref_slice %arg4[%add3A, %dma_wait3A_439, %dma_wait3A_445, %dma_wait3A_446] : memref<32x50x128x128xf32, #tpu.memory_space<hbm>> -> memref<1x1x128x128xf32, #tpu.memory_space<hbm>>
    %dma_wait3A_448 = tpu.memref_squeeze %dma_wait3A_447 : memref<1x1x128x128xf32, #tpu.memory_space<hbm>> -> memref<128x128xf32, #tpu.memory_space<hbm>>
    %dma_wait3A_449 = tpu.memref_slice %arg8[%dma_wait3A_440] : memref<5x!tpu.dma_semaphore, #tpu.memory_space<semaphore_mem>> -> memref<1x!tpu.dma_semaphore, #tpu.memory_space<semaphore_mem>>
    %dma_wait3A_450 = tpu.memref_squeeze %dma_wait3A_449 : memref<1x!tpu.dma_semaphore, #tpu.memory_space<semaphore_mem>> -> memref<!tpu.dma_semaphore, #tpu.memory_space<semaphore_mem>>
    %dma_wait3A_451 = arith.constant 0 : i32
    %dma_wait3A_452 = arith.constant 0 : i32
    %dma_wait3A_453 = tpu.memref_slice %arg4[%add3A, %dma_wait3A_439, %dma_wait3A_451, %dma_wait3A_452] : memref<32x50x128x128xf32, #tpu.memory_space<hbm>> -> memref<1x1x128x128xf32, #tpu.memory_space<hbm>>
    %dma_wait3A_454 = tpu.memref_squeeze %dma_wait3A_453 : memref<1x1x128x128xf32, #tpu.memory_space<hbm>> -> memref<128x128xf32, #tpu.memory_space<hbm>>
    %dma_wait3A_455 = arith.constant 0 : i32
    %dma_wait3A_456 = arith.constant 0 : i32
    %dma_wait3A_457 = tpu.memref_slice %arg6[%dma_wait3A_438, %dma_wait3A_455, %dma_wait3A_456] : memref<5x128x128xf32, #tpu.memory_space<vmem>> -> memref<1x128x128xf32, #tpu.memory_space<vmem>>
    %dma_wait3A_458 = tpu.memref_squeeze %dma_wait3A_457 : memref<1x128x128xf32, #tpu.memory_space<vmem>> -> memref<128x128xf32, #tpu.memory_space<vmem>>
    tpu.wait_dma2 semaphore(%dma_wait3A_450 : memref<!tpu.dma_semaphore, #tpu.memory_space<semaphore_mem>>) src(%dma_wait3A_458 : memref<128x128xf32, #tpu.memory_space<vmem>>) dst(%dma_wait3A_454 : memref<128x128xf32, #tpu.memory_space<hbm>>)
    %dma_start3A_459 = arith.constant 48 : i32
    %dma_start3A_460 = arith.constant 3 : i32
    %dma_start3A_461 = arith.constant 3 : i32
    %dma_start3A_462 = arith.constant 0 : i32
    %dma_start3A_463 = arith.constant 0 : i32
    %dma_start3A_464 = tpu.memref_slice %arg6[%dma_start3A_460, %dma_start3A_462, %dma_start3A_463] : memref<5x128x128xf32, #tpu.memory_space<vmem>> -> memref<1x128x128xf32, #tpu.memory_space<vmem>>
    %dma_start3A_465 = tpu.memref_squeeze %dma_start3A_464 : memref<1x128x128xf32, #tpu.memory_space<vmem>> -> memref<128x128xf32, #tpu.memory_space<vmem>>
    %dma_start3A_466 = arith.constant 0 : i32
    %dma_start3A_467 = tpu.memref_slice %arg5[%dma_start3A_459, %dma_start3A_466] : memref<50x128xi32, #tpu.memory_space<vmem>> -> memref<1x128xi32, #tpu.memory_space<vmem>>
    %dma_start3A_468 = tpu.memref_squeeze %dma_start3A_467 : memref<1x128xi32, #tpu.memory_space<vmem>> -> memref<128xi32, #tpu.memory_space<vmem>>
    %dma_start3A_469 = arith.constant 0 : i32
    %dma_start3A_470 = arith.constant 0 : i32
    %dma_start3A_471 = tpu.memref_slice %arg3[%dma_start3A_469, %dma_start3A_470] : memref<100000x128xf32, #tpu.memory_space<hbm>> -> memref<100000x128xf32, #tpu.memory_space<hbm>>
    %dma_start3A_472 = tpu.memref_slice %arg7[%dma_start3A_461] : memref<5x!tpu.dma_semaphore, #tpu.memory_space<semaphore_mem>> -> memref<1x!tpu.dma_semaphore, #tpu.memory_space<semaphore_mem>>
    %dma_start3A_473 = tpu.memref_squeeze %dma_start3A_472 : memref<1x!tpu.dma_semaphore, #tpu.memory_space<semaphore_mem>> -> memref<!tpu.dma_semaphore, #tpu.memory_space<semaphore_mem>>
    tpu.enqueue_indirect_dma source(%dma_start3A_471 : memref<100000x128xf32, #tpu.memory_space<hbm>>) target(%dma_start3A_465 : memref<128x128xf32, #tpu.memory_space<vmem>>) offsets(%dma_start3A_468 : memref<128xi32, #tpu.memory_space<vmem>>) semaphore(%dma_start3A_473 : memref<!tpu.dma_semaphore, #tpu.memory_space<semaphore_mem>>)
    %dma_wait3A_474 = arith.constant 47 : i32
    %dma_wait3A_475 = arith.constant 2 : i32
    %dma_wait3A_476 = arith.constant 2 : i32
    %dma_wait3A_477 = arith.constant 0 : i32
    %dma_wait3A_478 = arith.constant 0 : i32
    %dma_wait3A_479 = tpu.memref_slice %arg6[%dma_wait3A_475, %dma_wait3A_477, %dma_wait3A_478] : memref<5x128x128xf32, #tpu.memory_space<vmem>> -> memref<1x128x128xf32, #tpu.memory_space<vmem>>
    %dma_wait3A_480 = tpu.memref_squeeze %dma_wait3A_479 : memref<1x128x128xf32, #tpu.memory_space<vmem>> -> memref<128x128xf32, #tpu.memory_space<vmem>>
    %dma_wait3A_481 = arith.constant 0 : i32
    %dma_wait3A_482 = tpu.memref_slice %arg5[%dma_wait3A_474, %dma_wait3A_481] : memref<50x128xi32, #tpu.memory_space<vmem>> -> memref<1x128xi32, #tpu.memory_space<vmem>>
    %dma_wait3A_483 = tpu.memref_squeeze %dma_wait3A_482 : memref<1x128xi32, #tpu.memory_space<vmem>> -> memref<128xi32, #tpu.memory_space<vmem>>
    %dma_wait3A_484 = arith.constant 0 : i32
    %dma_wait3A_485 = arith.constant 0 : i32
    %dma_wait3A_486 = tpu.memref_slice %arg3[%dma_wait3A_484, %dma_wait3A_485] : memref<100000x128xf32, #tpu.memory_space<hbm>> -> memref<100000x128xf32, #tpu.memory_space<hbm>>
    %dma_wait3A_487 = tpu.memref_slice %arg7[%dma_wait3A_476] : memref<5x!tpu.dma_semaphore, #tpu.memory_space<semaphore_mem>> -> memref<1x!tpu.dma_semaphore, #tpu.memory_space<semaphore_mem>>
    %dma_wait3A_488 = tpu.memref_squeeze %dma_wait3A_487 : memref<1x!tpu.dma_semaphore, #tpu.memory_space<semaphore_mem>> -> memref<!tpu.dma_semaphore, #tpu.memory_space<semaphore_mem>>
    tpu.wait_indirect_dma semaphore(%dma_wait3A_488 : memref<!tpu.dma_semaphore, #tpu.memory_space<semaphore_mem>>) src(%dma_wait3A_486 : memref<100000x128xf32, #tpu.memory_space<hbm>>) dst(%dma_wait3A_480 : memref<128x128xf32, #tpu.memory_space<vmem>>)
    %dma_start3A_489 = arith.constant 2 : i32
    %dma_start3A_490 = arith.constant 47 : i32
    %dma_start3A_491 = arith.constant 2 : i32
    %dma_start3A_492 = arith.constant 0 : i32
    %dma_start3A_493 = arith.constant 0 : i32
    %dma_start3A_494 = tpu.memref_slice %arg6[%dma_start3A_489, %dma_start3A_492, %dma_start3A_493] : memref<5x128x128xf32, #tpu.memory_space<vmem>> -> memref<1x128x128xf32, #tpu.memory_space<vmem>>
    %dma_start3A_495 = tpu.memref_squeeze %dma_start3A_494 : memref<1x128x128xf32, #tpu.memory_space<vmem>> -> memref<128x128xf32, #tpu.memory_space<vmem>>
    %dma_start3A_496 = arith.constant 0 : i32
    %dma_start3A_497 = arith.constant 0 : i32
    %dma_start3A_498 = tpu.memref_slice %arg4[%add3A, %dma_start3A_490, %dma_start3A_496, %dma_start3A_497] : memref<32x50x128x128xf32, #tpu.memory_space<hbm>> -> memref<1x1x128x128xf32, #tpu.memory_space<hbm>>
    %dma_start3A_499 = tpu.memref_squeeze %dma_start3A_498 : memref<1x1x128x128xf32, #tpu.memory_space<hbm>> -> memref<128x128xf32, #tpu.memory_space<hbm>>
    %dma_start3A_500 = tpu.memref_slice %arg8[%dma_start3A_491] : memref<5x!tpu.dma_semaphore, #tpu.memory_space<semaphore_mem>> -> memref<1x!tpu.dma_semaphore, #tpu.memory_space<semaphore_mem>>
    %dma_start3A_501 = tpu.memref_squeeze %dma_start3A_500 : memref<1x!tpu.dma_semaphore, #tpu.memory_space<semaphore_mem>> -> memref<!tpu.dma_semaphore, #tpu.memory_space<semaphore_mem>>
    %dma_start3A_502 = arith.constant 0 : i32
    %dma_start3A_503 = arith.constant 0 : i32
    %dma_start3A_504 = tpu.memref_slice %arg4[%add3A, %dma_start3A_490, %dma_start3A_502, %dma_start3A_503] : memref<32x50x128x128xf32, #tpu.memory_space<hbm>> -> memref<1x1x128x128xf32, #tpu.memory_space<hbm>>
    %dma_start3A_505 = tpu.memref_squeeze %dma_start3A_504 : memref<1x1x128x128xf32, #tpu.memory_space<hbm>> -> memref<128x128xf32, #tpu.memory_space<hbm>>
    %dma_start3A_506 = arith.constant 0 : i32
    %dma_start3A_507 = arith.constant 0 : i32
    %dma_start3A_508 = tpu.memref_slice %arg6[%dma_start3A_489, %dma_start3A_506, %dma_start3A_507] : memref<5x128x128xf32, #tpu.memory_space<vmem>> -> memref<1x128x128xf32, #tpu.memory_space<vmem>>
    %dma_start3A_509 = tpu.memref_squeeze %dma_start3A_508 : memref<1x128x128xf32, #tpu.memory_space<vmem>> -> memref<128x128xf32, #tpu.memory_space<vmem>>
    tpu.enqueue_dma source(%dma_start3A_509 : memref<128x128xf32, #tpu.memory_space<vmem>>) target(%dma_start3A_505 : memref<128x128xf32, #tpu.memory_space<hbm>>) target_semaphore(%dma_start3A_501 : memref<!tpu.dma_semaphore, #tpu.memory_space<semaphore_mem>>)
    %dma_wait3A_510 = arith.constant 4 : i32
    %dma_wait3A_511 = arith.constant 44 : i32
    %dma_wait3A_512 = arith.constant 4 : i32
    %dma_wait3A_513 = arith.constant 0 : i32
    %dma_wait3A_514 = arith.constant 0 : i32
    %dma_wait3A_515 = tpu.memref_slice %arg6[%dma_wait3A_510, %dma_wait3A_513, %dma_wait3A_514] : memref<5x128x128xf32, #tpu.memory_space<vmem>> -> memref<1x128x128xf32, #tpu.memory_space<vmem>>
    %dma_wait3A_516 = tpu.memref_squeeze %dma_wait3A_515 : memref<1x128x128xf32, #tpu.memory_space<vmem>> -> memref<128x128xf32, #tpu.memory_space<vmem>>
    %dma_wait3A_517 = arith.constant 0 : i32
    %dma_wait3A_518 = arith.constant 0 : i32
    %dma_wait3A_519 = tpu.memref_slice %arg4[%add3A, %dma_wait3A_511, %dma_wait3A_517, %dma_wait3A_518] : memref<32x50x128x128xf32, #tpu.memory_space<hbm>> -> memref<1x1x128x128xf32, #tpu.memory_space<hbm>>
    %dma_wait3A_520 = tpu.memref_squeeze %dma_wait3A_519 : memref<1x1x128x128xf32, #tpu.memory_space<hbm>> -> memref<128x128xf32, #tpu.memory_space<hbm>>
    %dma_wait3A_521 = tpu.memref_slice %arg8[%dma_wait3A_512] : memref<5x!tpu.dma_semaphore, #tpu.memory_space<semaphore_mem>> -> memref<1x!tpu.dma_semaphore, #tpu.memory_space<semaphore_mem>>
    %dma_wait3A_522 = tpu.memref_squeeze %dma_wait3A_521 : memref<1x!tpu.dma_semaphore, #tpu.memory_space<semaphore_mem>> -> memref<!tpu.dma_semaphore, #tpu.memory_space<semaphore_mem>>
    %dma_wait3A_523 = arith.constant 0 : i32
    %dma_wait3A_524 = arith.constant 0 : i32
    %dma_wait3A_525 = tpu.memref_slice %arg4[%add3A, %dma_wait3A_511, %dma_wait3A_523, %dma_wait3A_524] : memref<32x50x128x128xf32, #tpu.memory_space<hbm>> -> memref<1x1x128x128xf32, #tpu.memory_space<hbm>>
    %dma_wait3A_526 = tpu.memref_squeeze %dma_wait3A_525 : memref<1x1x128x128xf32, #tpu.memory_space<hbm>> -> memref<128x128xf32, #tpu.memory_space<hbm>>
    %dma_wait3A_527 = arith.constant 0 : i32
    %dma_wait3A_528 = arith.constant 0 : i32
    %dma_wait3A_529 = tpu.memref_slice %arg6[%dma_wait3A_510, %dma_wait3A_527, %dma_wait3A_528] : memref<5x128x128xf32, #tpu.memory_space<vmem>> -> memref<1x128x128xf32, #tpu.memory_space<vmem>>
    %dma_wait3A_530 = tpu.memref_squeeze %dma_wait3A_529 : memref<1x128x128xf32, #tpu.memory_space<vmem>> -> memref<128x128xf32, #tpu.memory_space<vmem>>
    tpu.wait_dma2 semaphore(%dma_wait3A_522 : memref<!tpu.dma_semaphore, #tpu.memory_space<semaphore_mem>>) src(%dma_wait3A_530 : memref<128x128xf32, #tpu.memory_space<vmem>>) dst(%dma_wait3A_526 : memref<128x128xf32, #tpu.memory_space<hbm>>)
    %dma_start3A_531 = arith.constant 49 : i32
    %dma_start3A_532 = arith.constant 4 : i32
    %dma_start3A_533 = arith.constant 4 : i32
    %dma_start3A_534 = arith.constant 0 : i32
    %dma_start3A_535 = arith.constant 0 : i32
    %dma_start3A_536 = tpu.memref_slice %arg6[%dma_start3A_532, %dma_start3A_534, %dma_start3A_535] : memref<5x128x128xf32, #tpu.memory_space<vmem>> -> memref<1x128x128xf32, #tpu.memory_space<vmem>>
    %dma_start3A_537 = tpu.memref_squeeze %dma_start3A_536 : memref<1x128x128xf32, #tpu.memory_space<vmem>> -> memref<128x128xf32, #tpu.memory_space<vmem>>
    %dma_start3A_538 = arith.constant 0 : i32
    %dma_start3A_539 = tpu.memref_slice %arg5[%dma_start3A_531, %dma_start3A_538] : memref<50x128xi32, #tpu.memory_space<vmem>> -> memref<1x128xi32, #tpu.memory_space<vmem>>
    %dma_start3A_540 = tpu.memref_squeeze %dma_start3A_539 : memref<1x128xi32, #tpu.memory_space<vmem>> -> memref<128xi32, #tpu.memory_space<vmem>>
    %dma_start3A_541 = arith.constant 0 : i32
    %dma_start3A_542 = arith.constant 0 : i32
    %dma_start3A_543 = tpu.memref_slice %arg3[%dma_start3A_541, %dma_start3A_542] : memref<100000x128xf32, #tpu.memory_space<hbm>> -> memref<100000x128xf32, #tpu.memory_space<hbm>>
    %dma_start3A_544 = tpu.memref_slice %arg7[%dma_start3A_533] : memref<5x!tpu.dma_semaphore, #tpu.memory_space<semaphore_mem>> -> memref<1x!tpu.dma_semaphore, #tpu.memory_space<semaphore_mem>>
    %dma_start3A_545 = tpu.memref_squeeze %dma_start3A_544 : memref<1x!tpu.dma_semaphore, #tpu.memory_space<semaphore_mem>> -> memref<!tpu.dma_semaphore, #tpu.memory_space<semaphore_mem>>
    tpu.enqueue_indirect_dma source(%dma_start3A_543 : memref<100000x128xf32, #tpu.memory_space<hbm>>) target(%dma_start3A_537 : memref<128x128xf32, #tpu.memory_space<vmem>>) offsets(%dma_start3A_540 : memref<128xi32, #tpu.memory_space<vmem>>) semaphore(%dma_start3A_545 : memref<!tpu.dma_semaphore, #tpu.memory_space<semaphore_mem>>)
    %dma_wait3A_546 = arith.constant 48 : i32
    %dma_wait3A_547 = arith.constant 3 : i32
    %dma_wait3A_548 = arith.constant 3 : i32
    %dma_wait3A_549 = arith.constant 0 : i32
    %dma_wait3A_550 = arith.constant 0 : i32
    %dma_wait3A_551 = tpu.memref_slice %arg6[%dma_wait3A_547, %dma_wait3A_549, %dma_wait3A_550] : memref<5x128x128xf32, #tpu.memory_space<vmem>> -> memref<1x128x128xf32, #tpu.memory_space<vmem>>
    %dma_wait3A_552 = tpu.memref_squeeze %dma_wait3A_551 : memref<1x128x128xf32, #tpu.memory_space<vmem>> -> memref<128x128xf32, #tpu.memory_space<vmem>>
    %dma_wait3A_553 = arith.constant 0 : i32
    %dma_wait3A_554 = tpu.memref_slice %arg5[%dma_wait3A_546, %dma_wait3A_553] : memref<50x128xi32, #tpu.memory_space<vmem>> -> memref<1x128xi32, #tpu.memory_space<vmem>>
    %dma_wait3A_555 = tpu.memref_squeeze %dma_wait3A_554 : memref<1x128xi32, #tpu.memory_space<vmem>> -> memref<128xi32, #tpu.memory_space<vmem>>
    %dma_wait3A_556 = arith.constant 0 : i32
    %dma_wait3A_557 = arith.constant 0 : i32
    %dma_wait3A_558 = tpu.memref_slice %arg3[%dma_wait3A_556, %dma_wait3A_557] : memref<100000x128xf32, #tpu.memory_space<hbm>> -> memref<100000x128xf32, #tpu.memory_space<hbm>>
    %dma_wait3A_559 = tpu.memref_slice %arg7[%dma_wait3A_548] : memref<5x!tpu.dma_semaphore, #tpu.memory_space<semaphore_mem>> -> memref<1x!tpu.dma_semaphore, #tpu.memory_space<semaphore_mem>>
    %dma_wait3A_560 = tpu.memref_squeeze %dma_wait3A_559 : memref<1x!tpu.dma_semaphore, #tpu.memory_space<semaphore_mem>> -> memref<!tpu.dma_semaphore, #tpu.memory_space<semaphore_mem>>
    tpu.wait_indirect_dma semaphore(%dma_wait3A_560 : memref<!tpu.dma_semaphore, #tpu.memory_space<semaphore_mem>>) src(%dma_wait3A_558 : memref<100000x128xf32, #tpu.memory_space<hbm>>) dst(%dma_wait3A_552 : memref<128x128xf32, #tpu.memory_space<vmem>>)
    %dma_start3A_561 = arith.constant 3 : i32
    %dma_start3A_562 = arith.constant 48 : i32
    %dma_start3A_563 = arith.constant 3 : i32
    %dma_start3A_564 = arith.constant 0 : i32
    %dma_start3A_565 = arith.constant 0 : i32
    %dma_start3A_566 = tpu.memref_slice %arg6[%dma_start3A_561, %dma_start3A_564, %dma_start3A_565] : memref<5x128x128xf32, #tpu.memory_space<vmem>> -> memref<1x128x128xf32, #tpu.memory_space<vmem>>
    %dma_start3A_567 = tpu.memref_squeeze %dma_start3A_566 : memref<1x128x128xf32, #tpu.memory_space<vmem>> -> memref<128x128xf32, #tpu.memory_space<vmem>>
    %dma_start3A_568 = arith.constant 0 : i32
    %dma_start3A_569 = arith.constant 0 : i32
    %dma_start3A_570 = tpu.memref_slice %arg4[%add3A, %dma_start3A_562, %dma_start3A_568, %dma_start3A_569] : memref<32x50x128x128xf32, #tpu.memory_space<hbm>> -> memref<1x1x128x128xf32, #tpu.memory_space<hbm>>
    %dma_start3A_571 = tpu.memref_squeeze %dma_start3A_570 : memref<1x1x128x128xf32, #tpu.memory_space<hbm>> -> memref<128x128xf32, #tpu.memory_space<hbm>>
    %dma_start3A_572 = tpu.memref_slice %arg8[%dma_start3A_563] : memref<5x!tpu.dma_semaphore, #tpu.memory_space<semaphore_mem>> -> memref<1x!tpu.dma_semaphore, #tpu.memory_space<semaphore_mem>>
    %dma_start3A_573 = tpu.memref_squeeze %dma_start3A_572 : memref<1x!tpu.dma_semaphore, #tpu.memory_space<semaphore_mem>> -> memref<!tpu.dma_semaphore, #tpu.memory_space<semaphore_mem>>
    %dma_start3A_574 = arith.constant 0 : i32
    %dma_start3A_575 = arith.constant 0 : i32
    %dma_start3A_576 = tpu.memref_slice %arg4[%add3A, %dma_start3A_562, %dma_start3A_574, %dma_start3A_575] : memref<32x50x128x128xf32, #tpu.memory_space<hbm>> -> memref<1x1x128x128xf32, #tpu.memory_space<hbm>>
    %dma_start3A_577 = tpu.memref_squeeze %dma_start3A_576 : memref<1x1x128x128xf32, #tpu.memory_space<hbm>> -> memref<128x128xf32, #tpu.memory_space<hbm>>
    %dma_start3A_578 = arith.constant 0 : i32
    %dma_start3A_579 = arith.constant 0 : i32
    %dma_start3A_580 = tpu.memref_slice %arg6[%dma_start3A_561, %dma_start3A_578, %dma_start3A_579] : memref<5x128x128xf32, #tpu.memory_space<vmem>> -> memref<1x128x128xf32, #tpu.memory_space<vmem>>
    %dma_start3A_581 = tpu.memref_squeeze %dma_start3A_580 : memref<1x128x128xf32, #tpu.memory_space<vmem>> -> memref<128x128xf32, #tpu.memory_space<vmem>>
    tpu.enqueue_dma source(%dma_start3A_581 : memref<128x128xf32, #tpu.memory_space<vmem>>) target(%dma_start3A_577 : memref<128x128xf32, #tpu.memory_space<hbm>>) target_semaphore(%dma_start3A_573 : memref<!tpu.dma_semaphore, #tpu.memory_space<semaphore_mem>>)
    %dma_wait3A_582 = arith.constant 49 : i32
    %dma_wait3A_583 = arith.constant 4 : i32
    %dma_wait3A_584 = arith.constant 4 : i32
    %dma_wait3A_585 = arith.constant 0 : i32
    %dma_wait3A_586 = arith.constant 0 : i32
    %dma_wait3A_587 = tpu.memref_slice %arg6[%dma_wait3A_583, %dma_wait3A_585, %dma_wait3A_586] : memref<5x128x128xf32, #tpu.memory_space<vmem>> -> memref<1x128x128xf32, #tpu.memory_space<vmem>>
    %dma_wait3A_588 = tpu.memref_squeeze %dma_wait3A_587 : memref<1x128x128xf32, #tpu.memory_space<vmem>> -> memref<128x128xf32, #tpu.memory_space<vmem>>
    %dma_wait3A_589 = arith.constant 0 : i32
    %dma_wait3A_590 = tpu.memref_slice %arg5[%dma_wait3A_582, %dma_wait3A_589] : memref<50x128xi32, #tpu.memory_space<vmem>> -> memref<1x128xi32, #tpu.memory_space<vmem>>
    %dma_wait3A_591 = tpu.memref_squeeze %dma_wait3A_590 : memref<1x128xi32, #tpu.memory_space<vmem>> -> memref<128xi32, #tpu.memory_space<vmem>>
    %dma_wait3A_592 = arith.constant 0 : i32
    %dma_wait3A_593 = arith.constant 0 : i32
    %dma_wait3A_594 = tpu.memref_slice %arg3[%dma_wait3A_592, %dma_wait3A_593] : memref<100000x128xf32, #tpu.memory_space<hbm>> -> memref<100000x128xf32, #tpu.memory_space<hbm>>
    %dma_wait3A_595 = tpu.memref_slice %arg7[%dma_wait3A_584] : memref<5x!tpu.dma_semaphore, #tpu.memory_space<semaphore_mem>> -> memref<1x!tpu.dma_semaphore, #tpu.memory_space<semaphore_mem>>
    %dma_wait3A_596 = tpu.memref_squeeze %dma_wait3A_595 : memref<1x!tpu.dma_semaphore, #tpu.memory_space<semaphore_mem>> -> memref<!tpu.dma_semaphore, #tpu.memory_space<semaphore_mem>>
    tpu.wait_indirect_dma semaphore(%dma_wait3A_596 : memref<!tpu.dma_semaphore, #tpu.memory_space<semaphore_mem>>) src(%dma_wait3A_594 : memref<100000x128xf32, #tpu.memory_space<hbm>>) dst(%dma_wait3A_588 : memref<128x128xf32, #tpu.memory_space<vmem>>)
    %dma_start3A_597 = arith.constant 4 : i32
    %dma_start3A_598 = arith.constant 49 : i32
    %dma_start3A_599 = arith.constant 4 : i32
    %dma_start3A_600 = arith.constant 0 : i32
    %dma_start3A_601 = arith.constant 0 : i32
    %dma_start3A_602 = tpu.memref_slice %arg6[%dma_start3A_597, %dma_start3A_600, %dma_start3A_601] : memref<5x128x128xf32, #tpu.memory_space<vmem>> -> memref<1x128x128xf32, #tpu.memory_space<vmem>>
    %dma_start3A_603 = tpu.memref_squeeze %dma_start3A_602 : memref<1x128x128xf32, #tpu.memory_space<vmem>> -> memref<128x128xf32, #tpu.memory_space<vmem>>
    %dma_start3A_604 = arith.constant 0 : i32
    %dma_start3A_605 = arith.constant 0 : i32
    %dma_start3A_606 = tpu.memref_slice %arg4[%add3A, %dma_start3A_598, %dma_start3A_604, %dma_start3A_605] : memref<32x50x128x128xf32, #tpu.memory_space<hbm>> -> memref<1x1x128x128xf32, #tpu.memory_space<hbm>>
    %dma_start3A_607 = tpu.memref_squeeze %dma_start3A_606 : memref<1x1x128x128xf32, #tpu.memory_space<hbm>> -> memref<128x128xf32, #tpu.memory_space<hbm>>
    %dma_start3A_608 = tpu.memref_slice %arg8[%dma_start3A_599] : memref<5x!tpu.dma_semaphore, #tpu.memory_space<semaphore_mem>> -> memref<1x!tpu.dma_semaphore, #tpu.memory_space<semaphore_mem>>
    %dma_start3A_609 = tpu.memref_squeeze %dma_start3A_608 : memref<1x!tpu.dma_semaphore, #tpu.memory_space<semaphore_mem>> -> memref<!tpu.dma_semaphore, #tpu.memory_space<semaphore_mem>>
    %dma_start3A_610 = arith.constant 0 : i32
    %dma_start3A_611 = arith.constant 0 : i32
    %dma_start3A_612 = tpu.memref_slice %arg4[%add3A, %dma_start3A_598, %dma_start3A_610, %dma_start3A_611] : memref<32x50x128x128xf32, #tpu.memory_space<hbm>> -> memref<1x1x128x128xf32, #tpu.memory_space<hbm>>
    %dma_start3A_613 = tpu.memref_squeeze %dma_start3A_612 : memref<1x1x128x128xf32, #tpu.memory_space<hbm>> -> memref<128x128xf32, #tpu.memory_space<hbm>>
    %dma_start3A_614 = arith.constant 0 : i32
    %dma_start3A_615 = arith.constant 0 : i32
    %dma_start3A_616 = tpu.memref_slice %arg6[%dma_start3A_597, %dma_start3A_614, %dma_start3A_615] : memref<5x128x128xf32, #tpu.memory_space<vmem>> -> memref<1x128x128xf32, #tpu.memory_space<vmem>>
    %dma_start3A_617 = tpu.memref_squeeze %dma_start3A_616 : memref<1x128x128xf32, #tpu.memory_space<vmem>> -> memref<128x128xf32, #tpu.memory_space<vmem>>
    tpu.enqueue_dma source(%dma_start3A_617 : memref<128x128xf32, #tpu.memory_space<vmem>>) target(%dma_start3A_613 : memref<128x128xf32, #tpu.memory_space<hbm>>) target_semaphore(%dma_start3A_609 : memref<!tpu.dma_semaphore, #tpu.memory_space<semaphore_mem>>)
    %dma_wait3A_618 = arith.constant 0 : i32
    %dma_wait3A_619 = arith.constant 45 : i32
    %dma_wait3A_620 = arith.constant 0 : i32
    %dma_wait3A_621 = arith.constant 0 : i32
    %dma_wait3A_622 = arith.constant 0 : i32
    %dma_wait3A_623 = tpu.memref_slice %arg6[%dma_wait3A_618, %dma_wait3A_621, %dma_wait3A_622] : memref<5x128x128xf32, #tpu.memory_space<vmem>> -> memref<1x128x128xf32, #tpu.memory_space<vmem>>
    %dma_wait3A_624 = tpu.memref_squeeze %dma_wait3A_623 : memref<1x128x128xf32, #tpu.memory_space<vmem>> -> memref<128x128xf32, #tpu.memory_space<vmem>>
    %dma_wait3A_625 = arith.constant 0 : i32
    %dma_wait3A_626 = arith.constant 0 : i32
    %dma_wait3A_627 = tpu.memref_slice %arg4[%add3A, %dma_wait3A_619, %dma_wait3A_625, %dma_wait3A_626] : memref<32x50x128x128xf32, #tpu.memory_space<hbm>> -> memref<1x1x128x128xf32, #tpu.memory_space<hbm>>
    %dma_wait3A_628 = tpu.memref_squeeze %dma_wait3A_627 : memref<1x1x128x128xf32, #tpu.memory_space<hbm>> -> memref<128x128xf32, #tpu.memory_space<hbm>>
    %dma_wait3A_629 = tpu.memref_slice %arg8[%dma_wait3A_620] : memref<5x!tpu.dma_semaphore, #tpu.memory_space<semaphore_mem>> -> memref<1x!tpu.dma_semaphore, #tpu.memory_space<semaphore_mem>>
    %dma_wait3A_630 = tpu.memref_squeeze %dma_wait3A_629 : memref<1x!tpu.dma_semaphore, #tpu.memory_space<semaphore_mem>> -> memref<!tpu.dma_semaphore, #tpu.memory_space<semaphore_mem>>
    %dma_wait3A_631 = arith.constant 0 : i32
    %dma_wait3A_632 = arith.constant 0 : i32
    %dma_wait3A_633 = tpu.memref_slice %arg4[%add3A, %dma_wait3A_619, %dma_wait3A_631, %dma_wait3A_632] : memref<32x50x128x128xf32, #tpu.memory_space<hbm>> -> memref<1x1x128x128xf32, #tpu.memory_space<hbm>>
    %dma_wait3A_634 = tpu.memref_squeeze %dma_wait3A_633 : memref<1x1x128x128xf32, #tpu.memory_space<hbm>> -> memref<128x128xf32, #tpu.memory_space<hbm>>
    %dma_wait3A_635 = arith.constant 0 : i32
    %dma_wait3A_636 = arith.constant 0 : i32
    %dma_wait3A_637 = tpu.memref_slice %arg6[%dma_wait3A_618, %dma_wait3A_635, %dma_wait3A_636] : memref<5x128x128xf32, #tpu.memory_space<vmem>> -> memref<1x128x128xf32, #tpu.memory_space<vmem>>
    %dma_wait3A_638 = tpu.memref_squeeze %dma_wait3A_637 : memref<1x128x128xf32, #tpu.memory_space<vmem>> -> memref<128x128xf32, #tpu.memory_space<vmem>>
    tpu.wait_dma2 semaphore(%dma_wait3A_630 : memref<!tpu.dma_semaphore, #tpu.memory_space<semaphore_mem>>) src(%dma_wait3A_638 : memref<128x128xf32, #tpu.memory_space<vmem>>) dst(%dma_wait3A_634 : memref<128x128xf32, #tpu.memory_space<hbm>>)
    %dma_wait3A_639 = arith.constant 1 : i32
    %dma_wait3A_640 = arith.constant 46 : i32
    %dma_wait3A_641 = arith.constant 1 : i32
    %dma_wait3A_642 = arith.constant 0 : i32
    %dma_wait3A_643 = arith.constant 0 : i32
    %dma_wait3A_644 = tpu.memref_slice %arg6[%dma_wait3A_639, %dma_wait3A_642, %dma_wait3A_643] : memref<5x128x128xf32, #tpu.memory_space<vmem>> -> memref<1x128x128xf32, #tpu.memory_space<vmem>>
    %dma_wait3A_645 = tpu.memref_squeeze %dma_wait3A_644 : memref<1x128x128xf32, #tpu.memory_space<vmem>> -> memref<128x128xf32, #tpu.memory_space<vmem>>
    %dma_wait3A_646 = arith.constant 0 : i32
    %dma_wait3A_647 = arith.constant 0 : i32
    %dma_wait3A_648 = tpu.memref_slice %arg4[%add3A, %dma_wait3A_640, %dma_wait3A_646, %dma_wait3A_647] : memref<32x50x128x128xf32, #tpu.memory_space<hbm>> -> memref<1x1x128x128xf32, #tpu.memory_space<hbm>>
    %dma_wait3A_649 = tpu.memref_squeeze %dma_wait3A_648 : memref<1x1x128x128xf32, #tpu.memory_space<hbm>> -> memref<128x128xf32, #tpu.memory_space<hbm>>
    %dma_wait3A_650 = tpu.memref_slice %arg8[%dma_wait3A_641] : memref<5x!tpu.dma_semaphore, #tpu.memory_space<semaphore_mem>> -> memref<1x!tpu.dma_semaphore, #tpu.memory_space<semaphore_mem>>
    %dma_wait3A_651 = tpu.memref_squeeze %dma_wait3A_650 : memref<1x!tpu.dma_semaphore, #tpu.memory_space<semaphore_mem>> -> memref<!tpu.dma_semaphore, #tpu.memory_space<semaphore_mem>>
    %dma_wait3A_652 = arith.constant 0 : i32
    %dma_wait3A_653 = arith.constant 0 : i32
    %dma_wait3A_654 = tpu.memref_slice %arg4[%add3A, %dma_wait3A_640, %dma_wait3A_652, %dma_wait3A_653] : memref<32x50x128x128xf32, #tpu.memory_space<hbm>> -> memref<1x1x128x128xf32, #tpu.memory_space<hbm>>
    %dma_wait3A_655 = tpu.memref_squeeze %dma_wait3A_654 : memref<1x1x128x128xf32, #tpu.memory_space<hbm>> -> memref<128x128xf32, #tpu.memory_space<hbm>>
    %dma_wait3A_656 = arith.constant 0 : i32
    %dma_wait3A_657 = arith.constant 0 : i32
    %dma_wait3A_658 = tpu.memref_slice %arg6[%dma_wait3A_639, %dma_wait3A_656, %dma_wait3A_657] : memref<5x128x128xf32, #tpu.memory_space<vmem>> -> memref<1x128x128xf32, #tpu.memory_space<vmem>>
    %dma_wait3A_659 = tpu.memref_squeeze %dma_wait3A_658 : memref<1x128x128xf32, #tpu.memory_space<vmem>> -> memref<128x128xf32, #tpu.memory_space<vmem>>
    tpu.wait_dma2 semaphore(%dma_wait3A_651 : memref<!tpu.dma_semaphore, #tpu.memory_space<semaphore_mem>>) src(%dma_wait3A_659 : memref<128x128xf32, #tpu.memory_space<vmem>>) dst(%dma_wait3A_655 : memref<128x128xf32, #tpu.memory_space<hbm>>)
    %dma_wait3A_660 = arith.constant 2 : i32
    %dma_wait3A_661 = arith.constant 47 : i32
    %dma_wait3A_662 = arith.constant 2 : i32
    %dma_wait3A_663 = arith.constant 0 : i32
    %dma_wait3A_664 = arith.constant 0 : i32
    %dma_wait3A_665 = tpu.memref_slice %arg6[%dma_wait3A_660, %dma_wait3A_663, %dma_wait3A_664] : memref<5x128x128xf32, #tpu.memory_space<vmem>> -> memref<1x128x128xf32, #tpu.memory_space<vmem>>
    %dma_wait3A_666 = tpu.memref_squeeze %dma_wait3A_665 : memref<1x128x128xf32, #tpu.memory_space<vmem>> -> memref<128x128xf32, #tpu.memory_space<vmem>>
    %dma_wait3A_667 = arith.constant 0 : i32
    %dma_wait3A_668 = arith.constant 0 : i32
    %dma_wait3A_669 = tpu.memref_slice %arg4[%add3A, %dma_wait3A_661, %dma_wait3A_667, %dma_wait3A_668] : memref<32x50x128x128xf32, #tpu.memory_space<hbm>> -> memref<1x1x128x128xf32, #tpu.memory_space<hbm>>
    %dma_wait3A_670 = tpu.memref_squeeze %dma_wait3A_669 : memref<1x1x128x128xf32, #tpu.memory_space<hbm>> -> memref<128x128xf32, #tpu.memory_space<hbm>>
    %dma_wait3A_671 = tpu.memref_slice %arg8[%dma_wait3A_662] : memref<5x!tpu.dma_semaphore, #tpu.memory_space<semaphore_mem>> -> memref<1x!tpu.dma_semaphore, #tpu.memory_space<semaphore_mem>>
    %dma_wait3A_672 = tpu.memref_squeeze %dma_wait3A_671 : memref<1x!tpu.dma_semaphore, #tpu.memory_space<semaphore_mem>> -> memref<!tpu.dma_semaphore, #tpu.memory_space<semaphore_mem>>
    %dma_wait3A_673 = arith.constant 0 : i32
    %dma_wait3A_674 = arith.constant 0 : i32
    %dma_wait3A_675 = tpu.memref_slice %arg4[%add3A, %dma_wait3A_661, %dma_wait3A_673, %dma_wait3A_674] : memref<32x50x128x128xf32, #tpu.memory_space<hbm>> -> memref<1x1x128x128xf32, #tpu.memory_space<hbm>>
    %dma_wait3A_676 = tpu.memref_squeeze %dma_wait3A_675 : memref<1x1x128x128xf32, #tpu.memory_space<hbm>> -> memref<128x128xf32, #tpu.memory_space<hbm>>
    %dma_wait3A_677 = arith.constant 0 : i32
    %dma_wait3A_678 = arith.constant 0 : i32
    %dma_wait3A_679 = tpu.memref_slice %arg6[%dma_wait3A_660, %dma_wait3A_677, %dma_wait3A_678] : memref<5x128x128xf32, #tpu.memory_space<vmem>> -> memref<1x128x128xf32, #tpu.memory_space<vmem>>
    %dma_wait3A_680 = tpu.memref_squeeze %dma_wait3A_679 : memref<1x128x128xf32, #tpu.memory_space<vmem>> -> memref<128x128xf32, #tpu.memory_space<vmem>>
    tpu.wait_dma2 semaphore(%dma_wait3A_672 : memref<!tpu.dma_semaphore, #tpu.memory_space<semaphore_mem>>) src(%dma_wait3A_680 : memref<128x128xf32, #tpu.memory_space<vmem>>) dst(%dma_wait3A_676 : memref<128x128xf32, #tpu.memory_space<hbm>>)
    %dma_wait3A_681 = arith.constant 3 : i32
    %dma_wait3A_682 = arith.constant 48 : i32
    %dma_wait3A_683 = arith.constant 3 : i32
    %dma_wait3A_684 = arith.constant 0 : i32
    %dma_wait3A_685 = arith.constant 0 : i32
    %dma_wait3A_686 = tpu.memref_slice %arg6[%dma_wait3A_681, %dma_wait3A_684, %dma_wait3A_685] : memref<5x128x128xf32, #tpu.memory_space<vmem>> -> memref<1x128x128xf32, #tpu.memory_space<vmem>>
    %dma_wait3A_687 = tpu.memref_squeeze %dma_wait3A_686 : memref<1x128x128xf32, #tpu.memory_space<vmem>> -> memref<128x128xf32, #tpu.memory_space<vmem>>
    %dma_wait3A_688 = arith.constant 0 : i32
    %dma_wait3A_689 = arith.constant 0 : i32
    %dma_wait3A_690 = tpu.memref_slice %arg4[%add3A, %dma_wait3A_682, %dma_wait3A_688, %dma_wait3A_689] : memref<32x50x128x128xf32, #tpu.memory_space<hbm>> -> memref<1x1x128x128xf32, #tpu.memory_space<hbm>>
    %dma_wait3A_691 = tpu.memref_squeeze %dma_wait3A_690 : memref<1x1x128x128xf32, #tpu.memory_space<hbm>> -> memref<128x128xf32, #tpu.memory_space<hbm>>
    %dma_wait3A_692 = tpu.memref_slice %arg8[%dma_wait3A_683] : memref<5x!tpu.dma_semaphore, #tpu.memory_space<semaphore_mem>> -> memref<1x!tpu.dma_semaphore, #tpu.memory_space<semaphore_mem>>
    %dma_wait3A_693 = tpu.memref_squeeze %dma_wait3A_692 : memref<1x!tpu.dma_semaphore, #tpu.memory_space<semaphore_mem>> -> memref<!tpu.dma_semaphore, #tpu.memory_space<semaphore_mem>>
    %dma_wait3A_694 = arith.constant 0 : i32
    %dma_wait3A_695 = arith.constant 0 : i32
    %dma_wait3A_696 = tpu.memref_slice %arg4[%add3A, %dma_wait3A_682, %dma_wait3A_694, %dma_wait3A_695] : memref<32x50x128x128xf32, #tpu.memory_space<hbm>> -> memref<1x1x128x128xf32, #tpu.memory_space<hbm>>
    %dma_wait3A_697 = tpu.memref_squeeze %dma_wait3A_696 : memref<1x1x128x128xf32, #tpu.memory_space<hbm>> -> memref<128x128xf32, #tpu.memory_space<hbm>>
    %dma_wait3A_698 = arith.constant 0 : i32
    %dma_wait3A_699 = arith.constant 0 : i32
    %dma_wait3A_700 = tpu.memref_slice %arg6[%dma_wait3A_681, %dma_wait3A_698, %dma_wait3A_699] : memref<5x128x128xf32, #tpu.memory_space<vmem>> -> memref<1x128x128xf32, #tpu.memory_space<vmem>>
    %dma_wait3A_701 = tpu.memref_squeeze %dma_wait3A_700 : memref<1x128x128xf32, #tpu.memory_space<vmem>> -> memref<128x128xf32, #tpu.memory_space<vmem>>
    tpu.wait_dma2 semaphore(%dma_wait3A_693 : memref<!tpu.dma_semaphore, #tpu.memory_space<semaphore_mem>>) src(%dma_wait3A_701 : memref<128x128xf32, #tpu.memory_space<vmem>>) dst(%dma_wait3A_697 : memref<128x128xf32, #tpu.memory_space<hbm>>)
    %dma_wait3A_702 = arith.constant 4 : i32
    %dma_wait3A_703 = arith.constant 49 : i32
    %dma_wait3A_704 = arith.constant 4 : i32
    %dma_wait3A_705 = arith.constant 0 : i32
    %dma_wait3A_706 = arith.constant 0 : i32
    %dma_wait3A_707 = tpu.memref_slice %arg6[%dma_wait3A_702, %dma_wait3A_705, %dma_wait3A_706] : memref<5x128x128xf32, #tpu.memory_space<vmem>> -> memref<1x128x128xf32, #tpu.memory_space<vmem>>
    %dma_wait3A_708 = tpu.memref_squeeze %dma_wait3A_707 : memref<1x128x128xf32, #tpu.memory_space<vmem>> -> memref<128x128xf32, #tpu.memory_space<vmem>>
    %dma_wait3A_709 = arith.constant 0 : i32
    %dma_wait3A_710 = arith.constant 0 : i32
    %dma_wait3A_711 = tpu.memref_slice %arg4[%add3A, %dma_wait3A_703, %dma_wait3A_709, %dma_wait3A_710] : memref<32x50x128x128xf32, #tpu.memory_space<hbm>> -> memref<1x1x128x128xf32, #tpu.memory_space<hbm>>
    %dma_wait3A_712 = tpu.memref_squeeze %dma_wait3A_711 : memref<1x1x128x128xf32, #tpu.memory_space<hbm>> -> memref<128x128xf32, #tpu.memory_space<hbm>>
    %dma_wait3A_713 = tpu.memref_slice %arg8[%dma_wait3A_704] : memref<5x!tpu.dma_semaphore, #tpu.memory_space<semaphore_mem>> -> memref<1x!tpu.dma_semaphore, #tpu.memory_space<semaphore_mem>>
    %dma_wait3A_714 = tpu.memref_squeeze %dma_wait3A_713 : memref<1x!tpu.dma_semaphore, #tpu.memory_space<semaphore_mem>> -> memref<!tpu.dma_semaphore, #tpu.memory_space<semaphore_mem>>
    %dma_wait3A_715 = arith.constant 0 : i32
    %dma_wait3A_716 = arith.constant 0 : i32
    %dma_wait3A_717 = tpu.memref_slice %arg4[%add3A, %dma_wait3A_703, %dma_wait3A_715, %dma_wait3A_716] : memref<32x50x128x128xf32, #tpu.memory_space<hbm>> -> memref<1x1x128x128xf32, #tpu.memory_space<hbm>>
    %dma_wait3A_718 = tpu.memref_squeeze %dma_wait3A_717 : memref<1x1x128x128xf32, #tpu.memory_space<hbm>> -> memref<128x128xf32, #tpu.memory_space<hbm>>
    %dma_wait3A_719 = arith.constant 0 : i32
    %dma_wait3A_720 = arith.constant 0 : i32
    %dma_wait3A_721 = tpu.memref_slice %arg6[%dma_wait3A_702, %dma_wait3A_719, %dma_wait3A_720] : memref<5x128x128xf32, #tpu.memory_space<vmem>> -> memref<1x128x128xf32, #tpu.memory_space<vmem>>
    %dma_wait3A_722 = tpu.memref_squeeze %dma_wait3A_721 : memref<1x128x128xf32, #tpu.memory_space<vmem>> -> memref<128x128xf32, #tpu.memory_space<vmem>>
    tpu.wait_dma2 semaphore(%dma_wait3A_714 : memref<!tpu.dma_semaphore, #tpu.memory_space<semaphore_mem>>) src(%dma_wait3A_722 : memref<128x128xf32, #tpu.memory_space<vmem>>) dst(%dma_wait3A_718 : memref<128x128xf32, #tpu.memory_space<hbm>>)
    return
  }
}

</mosaic_0001>

<sc_bundles>
// kernel: _embed.3.cloned.1.call-start
scs
__scs_entry_jumppad:
0x0: {  	(pc) =	sbr.rel $0x88, $3  }
0x1: {  	(tag) =	ssettag $0x0;
	lr =	simm.s32 $0x1  }
0x2: {  	[smem:$0x3F9F] =	sst lr;
	_ =	strace $0xD0000000  }
0x3: {  	_ = 	snop  }
0x4: {  	_ = 	snop  }
0x5: {  	_ = 	snop  }
0x6: {  	_ = 	snop  }
0x7: {  	_ = 	snop  }
__scs_overlays_trampoline_lowered:
0x8: {  	[smem:$0x3FAE] =	sst s0  }
0x9: {  	[smem:$0x3FAF] =	sst s1  }
0xa: {  	[smem:$0x3FB0] =	sst s2  }
0xb: {  	[smem:$0x3FB1] =	sst s3  }
0xc: {  	[smem:$0x3FB2] =	sst s4  }
0xd: {  	[smem:$0x3FB3] =	sst s5  }
0xe: {  	[smem:$0x3FB4] =	sst s6  }
0xf: {  	[smem:$0x3FB5] =	sst s7  }
0x10: {  	[smem:$0x3FB6] =	sst s8  }
0x11: {  	[smem:$0x3FB7] =	sst s9;
	s0 =	simm.s32 @!p0 $0x0  }
0x12: {  	s1 =	sld [smem:$0x3F9D];
	s0 =	simm.s32 @p0 $0x1  }
0x13: {  	[smem:$0x3FB8] =	sst s0;
	s0 =	simm.s32 @!p1 $0x0  }
0x14: {  	s2 =	sld [smem:$0x3F9C];
	s0 =	simm.s32 @p1 $0x1  }
0x15: {  	[smem:$0x3FB9] =	sst s0;
	s0 =	simm.s32 @!p2 $0x0  }
0x16: {  	s3 =	sld [smem:$0x3FDB];
	s0 =	simm.s32 @p2 $0x1  }
0x17: {  	s4 =	simm.s32 $0x1BF5;
	[smem:$0x3FBB] =	sst s0  }
0x18: {  	s0 =	sld [smem:$0x3F9E];
	_ =	swait.ge [sflag:s4], $0x0  }
0x19: {  	s7 =	sld [smem:$0x3F9F]  }
0x1a: {  	s8 =	sadd.s32 $0xFFFFE003, lr  }
0x1b: {  	s9 =	sadd.s32 $0xFFFFFEF7, lr;
	s5 =	simm.s32 $0xFFFFFFFF;
	p2 =	slt.u32 s8, $0xFFFFF086  }
0x1c: {  	p1 =	slt.u32 s9, $0xF7A;
	s5 =	simm.s32 @!p2 $0x0  }
0x1d: {  	s5 =	simm.s32 @p1 $0x1;
	p0 =	seq.s32 s7, s2  }
0x1e: {  	s7 =	smul.u32 @!p0 $0xF7A, s2;
	p2 =	seq.s32 @!p0 s5, $0x0  }
0x1f: {  	s9 =	smul.u32 $0xF7A, s1;
	s8 =	simm.s32 @!p0 $0x1BF5;
	p2 =	por !p2, p0  }
0x20: {  	[sflag:s8] =	ssyncset.s32 @!p0 $0xFFFFF086;
	s6 =	sadd.s32 @!p0 s3, s7;
	s7 =	simm.s32 @!p0 $0x108  }
0x21: {  	s3 =	sadd.s32 s3, s9;
	s6 =	sadd.s32 @!p0 $0x88, s6;
	s7 =	simm.s32 @p2 $0x1082  }
0x22: {  	[simem:s7], [sflag:s8] =	dma.local @!p0 [hbm:s6], $0xF7A  }
0x23: {  	s9 =	sor.u32 $0xD0000000, s2;
	s6 =	simm.s32 $0x108;
	_ =	swait.ge @!p0 [sflag:s8], $0x0  }
0x24: {  	s3 =	sadd.s32 $0x88, s3;
	s6 =	simm.s32 @!p1 $0x1082;
	[sflag:s4] =	ssyncset.s32 $0xFFFFF086  }
0x25: {  	[simem:s6], [sflag:s4] =	dma.local [hbm:s3], $0xF7A  }
0x26: {  	[smem:$0x3F9F] =	sst s1;
	(tag) =	ssettag s2;
	_ =	strace s9  }
0x27: {  	s1 =	sld [smem:$0x3FAF]  }
0x28: {  	s2 =	sld [smem:$0x3FB0]  }
0x29: {  	s4 =	sld [smem:$0x3FB2]  }
0x2a: {  	p0 =	seq.s32 s5, $0x0;
	s5 =	sld [smem:$0x3FB3]  }
0x2b: {  	s6 =	sld [smem:$0x3FB4]  }
0x2c: {  	s7 =	sld [smem:$0x3FB5]  }
0x2d: {  	s3 =	simm.s32 $0x108;
	s8 =	sld [smem:$0x3FB6]  }
0x2e: {  	s3 =	simm.s32 @!p0 $0x1082;
	s9 =	sld [smem:$0x3FB7]  }
0x2f: {  	lr =	sadd.s32 s0, s3;
	s0 =	sld [smem:$0x3FAE]  }
0x30: {  	s3 =	sld [smem:$0x3FB1]  }
0x31: {  	[smem:$0x3FBA] =	sst s10  }
0x32: {  	s10 =	sld [smem:$0x3FB8];
	_ =	sdelay $0x3  }
0x33: {  	p0 =	seq.s32 s10, $0x1;
	s10 =	sld [smem:$0x3FBA];
	_ =	sdelay $0x3  }
0x34: {  	[smem:$0x3FBA] =	sst s10  }
0x35: {  	s10 =	sld [smem:$0x3FB9];
	_ =	sdelay $0x3  }
0x36: {  	p1 =	seq.s32 s10, $0x1;
	s10 =	sld [smem:$0x3FBA];
	_ =	sdelay $0x3  }
0x37: {  	[smem:$0x3FBA] =	sst s10  }
0x38: {  	s10 =	sld [smem:$0x3FBB]  }
0x39: {  	_ = 	snop;
	(pc) =	sbr.ind lr, $3  }
0x3a: {  	_ = 	snop  }
0x3b: {  	_ = 	snop  }
0x3c: {  	p2 =	seq.s32 s10, $0x1;
	s10 =	sld [smem:$0x3FBA]  }
0x3d: {  	_ =	shalt  }
0x3e: {  	_ =	shalt  }
0x3f: {  	_ =	shalt  }
0x40: {  	_ =	shalt  }
0x41: {  	_ =	shalt  }
0x42: {  	_ =	shalt  }
0x43: {  	_ =	shalt  }
0x44: {  	_ =	shalt  }
0x45: {  	_ =	shalt  }
0x46: {  	_ =	shalt  }
0x47: {  	_ =	shalt  }
0x48: {  	_ =	shalt  }
0x49: {  	_ =	shalt  }
0x4a: {  	_ =	shalt  }
0x4b: {  	_ =	shalt  }
0x4c: {  	_ =	shalt  }
0x4d: {  	_ =	shalt  }
0x4e: {  	_ =	shalt  }
0x4f: {  	_ =	shalt  }
0x50: {  	_ =	shalt  }
0x51: {  	_ =	shalt  }
0x52: {  	_ =	shalt  }
0x53: {  	_ =	shalt  }
0x54: {  	_ =	shalt  }
0x55: {  	_ =	shalt  }
0x56: {  	_ =	shalt  }
0x57: {  	_ =	shalt  }
0x58: {  	_ =	shalt  }
0x59: {  	_ =	shalt  }
0x5a: {  	_ =	shalt  }
0x5b: {  	_ =	shalt  }
0x5c: {  	_ =	shalt  }
0x5d: {  	_ =	shalt  }
0x5e: {  	_ =	shalt  }
0x5f: {  	_ =	shalt  }
0x60: {  	_ =	shalt  }
0x61: {  	_ =	shalt  }
0x62: {  	_ =	shalt  }
0x63: {  	_ =	shalt  }
0x64: {  	_ =	shalt  }
0x65: {  	_ =	shalt  }
0x66: {  	_ =	shalt  }
0x67: {  	_ =	shalt  }
0x68: {  	_ =	shalt  }
0x69: {  	_ =	shalt  }
0x6a: {  	_ =	shalt  }
0x6b: {  	_ =	shalt  }
0x6c: {  	_ =	shalt  }
0x6d: {  	_ =	shalt  }
0x6e: {  	_ =	shalt  }
0x6f: {  	_ =	shalt  }
0x70: {  	_ =	shalt  }
0x71: {  	_ =	shalt  }
0x72: {  	_ =	shalt  }
0x73: {  	_ =	shalt  }
0x74: {  	_ =	shalt  }
0x75: {  	_ =	shalt  }
0x76: {  	_ =	shalt  }
0x77: {  	_ =	shalt  }
0x78: {  	_ =	shalt  }
0x79: {  	_ =	shalt  }
0x7a: {  	_ =	shalt  }
0x7b: {  	_ =	shalt  }
0x7c: {  	_ =	shalt  }
0x7d: {  	_ =	shalt  }
0x7e: {  	_ =	shalt  }
0x7f: {  	_ =	shalt  }
0x80: {  	_ =	shalt  }
0x81: {  	_ =	shalt  }
0x82: {  	_ =	shalt  }
0x83: {  	_ =	shalt  }
0x84: {  	_ =	shalt  }
0x85: {  	_ =	shalt  }
0x86: {  	_ =	shalt  }
0x87: {  	_ =	shalt  }
.Lfunc_end0:
.L_simem_size_0:
called_computation_lowered:
.L_overlay_start_0:
0x88: {  	s2 =	sld [smem:$0x3FD9]  }
0x89: {  	s3 =	sld [smem:$0x3FFE];
	_ =	sdelay $0x1  }
0x8a: {  	s1 =	srdreg.scid  }
0x8b: {  	s0 =	sand.u32 $0x1, s1  }
0x8c: {  	s17 =	sshll.u32 s0, $0xA;
	s2 =	sadd.s32 s3, s2  }
0x8d: {  	s2 =	sadd.s32 s2, s17  }
0x8e: {  	[smem:$0x3FC6] =	sst s2  }
0x8f: {  	_ = 	snop  }
0x90: {  	s2 =	sld [smem:$0x3FC8]  }
0x91: {  	s18 =	sld [smem:$0x3FD0];
	(tm) =	ssettm $0x1  }
0x92: {  	s4 =	sld [smem:$0x3FFB];
	_ =	sdelay $0x3  }
0x93: {  	_ =	strace s4  }
0x94: {  	s4 =	sld [smem:$0x3FFC];
	_ =	sdelay $0x3  }
0x95: {  	_ =	strace s4  }
0x96: {  	s4 =	sld [smem:$0x3FFD];
	_ =	sdelay $0x3  }
0x97: {  	_ =	strace s4  }
0x98: {  	_ =	strace $0x8FFFFFFF  }
0x99: {  	s19 =	sld [smem:$0x3FDB];
	_ =	sdelay $0x1  }
0x9a: {  	s5 =	simm.s32 $_scs_section_size  }
0x9b: {  	s6 =	simm.s32 $_size__tile_overlayer_lowered;
	s7 =	simm.s32 $_tile_overlayer_lowered  }
0x9c: {  	s22 =	simm.s32 $0x1BFF;
	s21 =	sshll.u32 s7, $0x1;
	s4 =	sadd.s32 s5, s19  }
0x9d: {  	s8 =	simm.s32 $0x0;
	s20 =	sshll.u32 s6, $0x1;
	s6 =	sadd.s32 s21, s4  }
0x9e: {  	[timem:s8], [sflag:s22] =	dma.local [hbm:s6], s20  }
0x9f: {  	_ =	swait.ge [sflag:s22], s20  }
0xa0: {  	s5 =	ssub.s32 $0x0, s20;
	[sflag:s22] =	ssyncset.done $0x0  }
0xa1: {  	[sflag:s22] =	ssyncadd.s32 s5;
	_ =	sdelay $0x1  }
0xa2: {  	s23 =	simm.s32 $0x1B8B  }
0xa3: {  	_ =	swait.ge [sflag:s23], $0x1  }
0xa4: {  	[sflag:s23] =	ssyncset.done $0x0  }
0xa5: {  	s25 =	simm.s32 $0x1B8E;
	s24 =	sld [smem:$0x3FFE];
	[sflag:s23] =	ssyncadd.s32 $0xFFFFFFFF  }
0xa6: {  	s26 =	simm.s32 $execute0_lowered;
	[smem:$0x3FD2] =	sst s25  }
0xa7: {  	s6 =	sshll.u32 s26, $0x1;
	_ =	strace $0x80000046;
	[dreg:$0x1] =	wrdreg $0xFFFFFFFF  }
0xa8: {  	s28 =	simm.s32 $_size_execute0_lowered;
	s4 =	sadd.s32 s4, s6;
	[dreg:$0x0] =	wrdreg $0x0  }
0xa9: {  	s6 =	sshll.u32 s28, $0x1;
	[dreg:$0x2] =	wrdreg s4  }
0xaa: {  	[dreg:$0x3] =	wrdreg s6  }
0xab: {  	[dreg:$0x4] =	wrdreg $0xC0  }
0xac: {  	_ =	task [dreg:s8], $0x5FFFF  }
0xad: {  	[dreg:$0x1] =	wrdreg $0xFFFFFFFF  }
0xae: {  	[dreg:$0x0] =	wrdreg $0x60  }
0xaf: {  	[dreg:$0x2] =	wrdreg s24  }
0xb0: {  	[dreg:$0x3] =	wrdreg s2  }
0xb1: {  	[dreg:$0x4] =	wrdreg s18  }
0xb2: {  	[dreg:$0x5] =	wrdreg $0x9  }
0xb3: {  	_ =	task.clear_ibuf [dreg:s8], $0x6FFFF;
	_ =	strace $0x90000046  }
0xb4: {  	s29 =	simm.s32 $0x9;
	_ =	strace $0x80000048  }
0xb5: {  	_ =	swait.ge [sflag:s29], $0x1  }
0xb6: {  	[sflag:s29] =	ssyncadd.s32 $0xFFFFFFFF  }
0xb7: {  	_ =	strace $0x90000048  }
0xb8: {  	_ =	sfence  }
0xb9: {  	s30 =	sld [smem:$0x0];
	_ =	sdelay $0x2  }
0xba: {  	s31 =	sshll.u32 s1, $0xD;
	s1 =	sshrl.u32 s1, $0x2  }
0xbb: {  	s3 =	sand.u32 $0x4000, s31;
	s1 =	sadd.s32 s1, s30  }
0xbc: {  	s0 =	sor.u32 s3, s0;
	s1 =	sshll.u32 s1, $0x11  }
0xbd: {  	s0 =	sor.u32 s1, s0  }
0xbe: {  	s0 =	sadd.s32 $0x8F2B, s0  }
0xbf: {  	[sflag:s0] =	ssyncadd.remote.s32 $0x1  }
0xc0: {  	_ =	sfence.sel $0xFFFF  }
0xc1: {  	[dreg:$0x0] =	wrdreg $0xFFFFFFFF;
	(pc) =	sbr.abs _section_cstart, $3  }
0xc2: {  	[dreg:$0x1] =	wrdreg $0xFFFFFFFF  }
0xc3: {  	_ =	task.clear_ibuf [dreg:s8], $0x2FFFF;
	_ =	strace $0x9FFFFFFF  }
0xc4: {  	(tm) =	ssettm $0x7FFFFFFF  }
0xc5: {  	_ =	shalt  }
tec
execute0_lowered:
.L_overlay_start_1:
0x0: {  	(tag) =	ssettag $0x1  }
0x1: {  	s0 =	rddreg [dreg:$0x0]  }
0x2: {  	s1 =	srdreg.scid;
	s2 =	rddreg [dreg:$0x1]  }
0x3: {  	s8 =	stileid.u32;
	s3 =	rddreg [dreg:$0x2]  }
0x4: {  	s29 =	simm.s32 $0x9C00;
	s30 =	simm.s32 $0x2;
	s31 =	simm.s32 $0x11C00  }
0x5: {  	s28 =	simm.s32 $0x4;
	s1 =	sand.u32 $0x1, s1;
	s4 =	sshll.u32 s8, $0x1  }
0x6: {  	s9 =	simm.s32 $0x8;
	s8 =	smul.u32 $0x190000, s8;
	s5 =	sor.u32 s1, s4  }
0x7: {  	s4 =	simm.s32 $0x0;
	s12 =	ssub.s32 $0x2, s1;
	s1 =	smul.u32 $0xC8000, s1  }
0x8: {  	s10 =	simm.s32 $0x9;
	s6 =	smul.u32 $0x380, s5;
	[smem:$0x7FF] =	sst s4  }
0x9: {  	s5 =	smul.u32 $0xC8000, s5;
	s7 =	sshrl.u32 s12, $0x1;
	s17 =	sadd.s32 s1, s8  }
0xa: {  	_ =	strace $0x80000047;
	s0 =	sadd.s32 s6, s0;
	s24 =	sadd.s32 $0x14000, s17  }
0xb: {  	s5 =	sshrl.u32 s5, $0x3;
	s0 =	sadd.s32 $0x400, s0;
	[dreg:$0x11] =	wrdreg s24  }
0xc: {  	s6 =	ssub.s32 s12, s7;
	s5 =	sadd.s32 s3, s5;
	[dreg:$0x5] =	wrdreg s0  }
0xd: {  	s11 =	simm.s32 $0xA;
	s23 =	smax.u32 s6, $0x1;
	[dreg:$0x4] =	wrdreg s5  }
0xe: {  	s8 =	simm.s32 $0x7;
	s13 =	sadd.s32 $0x800, s5;
	[dreg:$0xf] =	wrdreg s23  }
0xf: {  	s20 =	sadd.s32 $0x18000, s17;
	s14 =	sadd.s32 $0x1000, s5;
	[dreg:$0x6] =	wrdreg s13  }
0x10: {  	s25 =	sadd.s32 $0x24000, s17;
	s15 =	sadd.s32 $0x1800, s5;
	[dreg:$0x7] =	wrdreg s14  }
0x11: {  	s26 =	sadd.s32 $0x20000, s17;
	s16 =	sadd.s32 $0x2000, s5;
	[dreg:$0x8] =	wrdreg s15  }
0x12: {  	s7 =	simm.s32 $0x5;
	s18 =	sadd.s32 $0x16800, s5;
	[dreg:$0x9] =	wrdreg s16  }
0x13: {  	s12 =	simm.s32 $0x0;
	s19 =	sadd.s32 $0x17000, s5;
	[dreg:$0xa] =	wrdreg s18  }
0x14: {  	s1 =	sshrl.u32 s20, $0x3;
	s21 =	sadd.s32 $0x17800, s5;
	[dreg:$0xb] =	wrdreg s19  }
0x15: {  	s24 =	simm.s32 $0x1C00;
	s22 =	sadd.s32 $0x18000, s5;
	[dreg:$0xc] =	wrdreg s21  }
0x16: {  	s6 =	simm.s32 $0x6;
	s5 =	sadd.s32 $0x18800, s5;
	[dreg:$0xd] =	wrdreg s22  }
0x17: {  	s1 =	sadd.s32 s1, s3;
	s0 =	sadd.s32 $0x1C000, s17;
	[dreg:$0xe] =	wrdreg s5  }
0x18: {  	s23 =	simm.s32 $0x80;
	[dreg:$0x10] =	wrdreg s1;
	s1 =	sshrl.u32 s25, $0x3  }
0x19: {  	s5 =	sshrl.u32 s26, $0x3;
	s0 =	sshrl.u32 s0, $0x3;
	s25 =	simm.s32 $0x5C00  }
0x1a: {  	s26 =	simm.s32 $0x1;
	s19 =	sadd.s32 s1, s3;
	s20 =	sadd.s32 s5, s3  }
0x1b: {  	s21 =	sadd.s32 s0, s3;
	s1 =	simm.s32 $0xDC00;
	s0 =	simm.s32 $0x3  }
.LBB2_1:
0x1c: {  	s5 =	rddreg [dreg:$0x5];
	s16 =	simm.s32 $0xB  }
0x1d: {  	[tilespmem:s4], [sflag:$0xB] =	stream.linear.gather [hbm4b:s5+s4], $0x1900, $0x38;
	[tilespmem:$0x15C00] =	vst v63  }
0x1e: {  	_ =	swait.ge [sflag:s16], $0x1900  }
0x1f: {  	[sflag:s16] =	ssyncset.done $0x0  }
0x20: {  	[sflag:s16] =	ssyncadd.s32 $0xFFFFE700  }
0x21: {  	[tilespmem:s24], [sflag:$0x1] =	stream.indirect.gather [hbm4b:s2+s23], $0x80, s4, s23, $0xb8;
	[tilespmem:$0x15C00] =	vst v63  }
0x22: {  	_ = 	snop  }
0x23: {  	[tilespmem:s25], [sflag:$0x2] =	stream.indirect.gather [hbm4b:s2+s23], $0x80, s23, s23, $0xb8;
	[tilespmem:$0x15C00] =	vst v63  }
0x24: {  	_ =	swait.ge [sflag:s26], $0x4000  }
0x25: {  	[sflag:s26] =	ssyncset.done $0x0  }
0x26: {  	s17 =	rddreg [dreg:$0x4];
	[sflag:s26] =	ssyncadd.s32 $0xFFFFC000  }
0x27: {  	[hbm4b:s17+s4] =	stream.linear.scatter [tilespmem:s24], [sflag:$0x6], $0x4000, $0x38;
	[tilespmem:$0x15C00] =	vst v63  }
0x28: {  	s18 =	simm.s32 $0x100  }
0x29: {  	[tilespmem:s29], [sflag:$0x3] =	stream.indirect.gather [hbm4b:s2+s23], $0x80, s18, s23, $0xb8;
	[tilespmem:$0x15C00] =	vst v63  }
0x2a: {  	_ =	swait.ge [sflag:s30], $0x4000  }
0x2b: {  	[sflag:s30] =	ssyncset.done $0x0  }
0x2c: {  	s22 =	rddreg [dreg:$0x6];
	[sflag:s30] =	ssyncadd.s32 $0xFFFFC000  }
0x2d: {  	[hbm4b:s22+s4] =	stream.linear.scatter [tilespmem:s25], [sflag:$0x7], $0x4000, $0x38;
	[tilespmem:$0x15C00] =	vst v63  }
0x2e: {  	s13 =	simm.s32 $0x180  }
0x2f: {  	[tilespmem:s1], [sflag:$0x4] =	stream.indirect.gather [hbm4b:s2+s23], $0x80, s13, s23, $0xb8;
	[tilespmem:$0x15C00] =	vst v63  }
0x30: {  	_ =	swait.ge [sflag:s0], $0x4000  }
0x31: {  	[sflag:s0] =	ssyncset.done $0x0  }
0x32: {  	s14 =	rddreg [dreg:$0x7];
	[sflag:s0] =	ssyncadd.s32 $0xFFFFC000  }
0x33: {  	[hbm4b:s14+s4] =	stream.linear.scatter [tilespmem:s29], [sflag:$0x8], $0x4000, $0x38;
	[tilespmem:$0x15C00] =	vst v63  }
0x34: {  	s15 =	simm.s32 $0x200  }
0x35: {  	[tilespmem:s31], [sflag:$0x5] =	stream.indirect.gather [hbm4b:s2+s23], $0x80, s15, s23, $0xb8;
	[tilespmem:$0x15C00] =	vst v63  }
0x36: {  	_ =	swait.ge [sflag:s28], $0x4000  }
0x37: {  	[sflag:s28] =	ssyncset.done $0x0  }
0x38: {  	s16 =	rddreg [dreg:$0x8];
	[sflag:s28] =	ssyncadd.s32 $0xFFFFC000  }
0x39: {  	[hbm4b:s16+s4] =	stream.linear.scatter [tilespmem:s1], [sflag:$0x9], $0x4000, $0x38;
	[tilespmem:$0x15C00] =	vst v63  }
0x3a: {  	_ =	swait.ge [sflag:s6], $0x4000  }
0x3b: {  	[sflag:s6] =	ssyncset.done $0x0  }
0x3c: {  	s17 =	simm.s32 $0x280;
	[sflag:s6] =	ssyncadd.s32 $0xFFFFC000  }
0x3d: {  	[tilespmem:s24], [sflag:$0x1] =	stream.indirect.gather [hbm4b:s2+s23], $0x80, s17, s23, $0xb8;
	[tilespmem:$0x15C00] =	vst v63  }
0x3e: {  	_ =	swait.ge [sflag:s7], $0x4000  }
0x3f: {  	[sflag:s7] =	ssyncset.done $0x0  }
0x40: {  	s18 =	rddreg [dreg:$0x9];
	[sflag:s7] =	ssyncadd.s32 $0xFFFFC000  }
0x41: {  	[hbm4b:s18+s4] =	stream.linear.scatter [tilespmem:s31], [sflag:$0xA], $0x4000, $0x38;
	[tilespmem:$0x15C00] =	vst v63  }
0x42: {  	_ =	swait.ge [sflag:s8], $0x4000  }
0x43: {  	[sflag:s8] =	ssyncset.done $0x0  }
0x44: {  	s22 =	simm.s32 $0x300;
	[sflag:s8] =	ssyncadd.s32 $0xFFFFC000  }
0x45: {  	[tilespmem:s25], [sflag:$0x2] =	stream.indirect.gather [hbm4b:s2+s23], $0x80, s22, s23, $0xb8;
	[tilespmem:$0x15C00] =	vst v63  }
0x46: {  	_ =	swait.ge [sflag:s26], $0x4000  }
0x47: {  	s16 =	rddreg [dreg:$0x11]  }
0x48: {  	[sflag:s26] =	ssyncset.done $0x0;
	s13 =	sshrl.u32 s16, $0x3  }
0x49: {  	[sflag:s26] =	ssyncadd.s32 $0xFFFFC000;
	s5 =	sadd.s32 s3, s13  }
0x4a: {  	[hbm4b:s5+s4] =	stream.linear.scatter [tilespmem:s24], [sflag:$0x6], $0x4000, $0x38;
	[tilespmem:$0x15C00] =	vst v63  }
0x4b: {  	_ =	swait.ge [sflag:s9], $0x4000  }
0x4c: {  	[sflag:s9] =	ssyncset.done $0x0  }
0x4d: {  	s14 =	simm.s32 $0x380;
	[sflag:s9] =	ssyncadd.s32 $0xFFFFC000  }
0x4e: {  	[tilespmem:s29], [sflag:$0x3] =	stream.indirect.gather [hbm4b:s2+s23], $0x80, s14, s23, $0xb8;
	[tilespmem:$0x15C00] =	vst v63  }
0x4f: {  	_ =	swait.ge [sflag:s30], $0x4000  }
0x50: {  	[sflag:s30] =	ssyncset.done $0x0  }
0x51: {  	s18 =	rddreg [dreg:$0x10];
	[sflag:s30] =	ssyncadd.s32 $0xFFFFC000  }
0x52: {  	[hbm4b:s18+s4] =	stream.linear.scatter [tilespmem:s25], [sflag:$0x7], $0x4000, $0x38;
	[tilespmem:$0x15C00] =	vst v63  }
0x53: {  	_ =	swait.ge [sflag:s10], $0x4000  }
0x54: {  	[sflag:s10] =	ssyncset.done $0x0  }
0x55: {  	s15 =	simm.s32 $0x400;
	[sflag:s10] =	ssyncadd.s32 $0xFFFFC000  }
0x56: {  	[tilespmem:s1], [sflag:$0x4] =	stream.indirect.gather [hbm4b:s2+s23], $0x80, s15, s23, $0xb8;
	[tilespmem:$0x15C00] =	vst v63  }
0x57: {  	_ =	swait.ge [sflag:s0], $0x4000  }
0x58: {  	[sflag:s0] =	ssyncset.done $0x0  }
0x59: {  	[sflag:s0] =	ssyncadd.s32 $0xFFFFC000  }
0x5a: {  	[hbm4b:s21+s4] =	stream.linear.scatter [tilespmem:s29], [sflag:$0x8], $0x4000, $0x38;
	[tilespmem:$0x15C00] =	vst v63  }
0x5b: {  	_ =	swait.ge [sflag:s11], $0x4000  }
0x5c: {  	[sflag:s11] =	ssyncset.done $0x0  }
0x5d: {  	s17 =	simm.s32 $0x480;
	[sflag:s11] =	ssyncadd.s32 $0xFFFFC000  }
0x5e: {  	[tilespmem:s31], [sflag:$0x5] =	stream.indirect.gather [hbm4b:s2+s23], $0x80, s17, s23, $0xb8;
	[tilespmem:$0x15C00] =	vst v63  }
0x5f: {  	_ =	swait.ge [sflag:s28], $0x4000  }
0x60: {  	[sflag:s28] =	ssyncset.done $0x0  }
0x61: {  	[sflag:s28] =	ssyncadd.s32 $0xFFFFC000  }
0x62: {  	[hbm4b:s20+s4] =	stream.linear.scatter [tilespmem:s1], [sflag:$0x9], $0x4000, $0x38;
	[tilespmem:$0x15C00] =	vst v63  }
0x63: {  	_ =	swait.ge [sflag:s6], $0x4000  }
0x64: {  	[sflag:s6] =	ssyncset.done $0x0  }
0x65: {  	s22 =	simm.s32 $0x500;
	[sflag:s6] =	ssyncadd.s32 $0xFFFFC000  }
0x66: {  	[tilespmem:s24], [sflag:$0x1] =	stream.indirect.gather [hbm4b:s2+s23], $0x80, s22, s23, $0xb8;
	[tilespmem:$0x15C00] =	vst v63  }
0x67: {  	_ =	swait.ge [sflag:s7], $0x4000  }
0x68: {  	[sflag:s7] =	ssyncset.done $0x0  }
0x69: {  	s16 =	sadd.s32 $0x14000, s16;
	[sflag:s7] =	ssyncadd.s32 $0xFFFFC000  }
0x6a: {  	[hbm4b:s19+s4] =	stream.linear.scatter [tilespmem:s31], [sflag:$0xA], $0x4000, $0x38;
	[tilespmem:$0x15C00] =	vst v63  }
0x6b: {  	s13 =	simm.s32 $0xA00;
	s5 =	sadd.s32 $0x2800, s19;
	_ =	swait.ge [sflag:s8], $0x4000  }
0x6c: {  	s14 =	sadd.s32 $0x2800, s20;
	s15 =	sadd.s32 $0x2800, s21;
	[sflag:s8] =	ssyncset.done $0x0  }
0x6d: {  	s17 =	simm.s32 $0x580;
	s22 =	sadd.s32 $0x2800, s18;
	[sflag:s8] =	ssyncadd.s32 $0xFFFFC000  }
.LBB2_2:
0x6e: {  	[tilespmem:s25], [sflag:$0x2] =	stream.indirect.gather [hbm4b:s2+s23], $0x80, s17, s23, $0xb8;
	[tilespmem:$0x15C00] =	vst v63  }
0x6f: {  	s17 =	smov.u32 s13  }
0x70: {  	p0 =	sne.s32 s13, $0x4600;
	s13 =	sadd.s32 $0xA00, s13;
	_ =	swait.ge [sflag:s26], $0x4000  }
0x71: {  	s18 =	sshrl.u32 s16, $0x3;
	[sflag:s26] =	ssyncset.done $0x0  }
0x72: {  	s18 =	sadd.s32 s3, s18;
	[sflag:s26] =	ssyncadd.s32 $0xFFFFC000  }
0x73: {  	[hbm4b:s18+s4] =	stream.linear.scatter [tilespmem:s24], [sflag:$0x6], $0x4000, $0x38;
	[tilespmem:$0x15C00] =	vst v63  }
0x74: {  	_ =	swait.ge [sflag:s9], $0x4000  }
0x75: {  	s17 =	sshra.s32 s17, $0x2;
	[sflag:s9] =	ssyncset.done $0x0  }
0x76: {  	s18 =	sadd.s32 $0x380, s17;
	[sflag:s9] =	ssyncadd.s32 $0xFFFFC000  }
0x77: {  	[tilespmem:s29], [sflag:$0x3] =	stream.indirect.gather [hbm4b:s2+s23], $0x80, s18, s23, $0xb8;
	[tilespmem:$0x15C00] =	vst v63  }
0x78: {  	_ =	swait.ge [sflag:s30], $0x4000  }
0x79: {  	[sflag:s30] =	ssyncset.done $0x0  }
0x7a: {  	[sflag:s30] =	ssyncadd.s32 $0xFFFFC000  }
0x7b: {  	[hbm4b:s22+s4] =	stream.linear.scatter [tilespmem:s25], [sflag:$0x7], $0x4000, $0x38;
	[tilespmem:$0x15C00] =	vst v63  }
0x7c: {  	_ =	swait.ge [sflag:s10], $0x4000  }
0x7d: {  	[sflag:s10] =	ssyncset.done $0x0  }
0x7e: {  	s18 =	sadd.s32 $0x400, s17;
	[sflag:s10] =	ssyncadd.s32 $0xFFFFC000  }
0x7f: {  	[tilespmem:s1], [sflag:$0x4] =	stream.indirect.gather [hbm4b:s2+s23], $0x80, s18, s23, $0xb8;
	[tilespmem:$0x15C00] =	vst v63  }
0x80: {  	_ =	swait.ge [sflag:s0], $0x4000  }
0x81: {  	[sflag:s0] =	ssyncset.done $0x0  }
0x82: {  	[sflag:s0] =	ssyncadd.s32 $0xFFFFC000  }
0x83: {  	[hbm4b:s15+s4] =	stream.linear.scatter [tilespmem:s29], [sflag:$0x8], $0x4000, $0x38;
	[tilespmem:$0x15C00] =	vst v63  }
0x84: {  	_ =	swait.ge [sflag:s11], $0x4000  }
0x85: {  	[sflag:s11] =	ssyncset.done $0x0  }
0x86: {  	s18 =	sadd.s32 $0x480, s17;
	[sflag:s11] =	ssyncadd.s32 $0xFFFFC000  }
0x87: {  	[tilespmem:s31], [sflag:$0x5] =	stream.indirect.gather [hbm4b:s2+s23], $0x80, s18, s23, $0xb8;
	[tilespmem:$0x15C00] =	vst v63  }
0x88: {  	_ =	swait.ge [sflag:s28], $0x4000  }
0x89: {  	[sflag:s28] =	ssyncset.done $0x0  }
0x8a: {  	[sflag:s28] =	ssyncadd.s32 $0xFFFFC000  }
0x8b: {  	[hbm4b:s14+s4] =	stream.linear.scatter [tilespmem:s1], [sflag:$0x9], $0x4000, $0x38;
	[tilespmem:$0x15C00] =	vst v63  }
0x8c: {  	_ =	swait.ge [sflag:s6], $0x4000  }
0x8d: {  	[sflag:s6] =	ssyncset.done $0x0  }
0x8e: {  	s18 =	sadd.s32 $0x500, s17;
	[sflag:s6] =	ssyncadd.s32 $0xFFFFC000  }
0x8f: {  	[tilespmem:s24], [sflag:$0x1] =	stream.indirect.gather [hbm4b:s2+s23], $0x80, s18, s23, $0xb8;
	[tilespmem:$0x15C00] =	vst v63  }
0x90: {  	_ =	swait.ge [sflag:s7], $0x4000  }
0x91: {  	[sflag:s7] =	ssyncset.done $0x0  }
.Ltmp0:
0x92: {  	[sflag:s7] =	ssyncadd.s32 $0xFFFFC000;
	(pc) =	sbr.rel @p0 .LBB2_2-.Ltmp0, $4  }
0x93: {  	[hbm4b:s5+s4] =	stream.linear.scatter [tilespmem:s31], [sflag:$0xA], $0x4000, $0x38;
	[tilespmem:$0x15C00] =	vst v63  }
0x94: {  	s15 =	sadd.s32 $0x2800, s15;
	s14 =	sadd.s32 $0x2800, s14;
	_ =	swait.ge [sflag:s8], $0x4000  }
0x95: {  	s16 =	sadd.s32 $0x14000, s16;
	s5 =	sadd.s32 $0x2800, s5;
	[sflag:s8] =	ssyncset.done $0x0  }
0x96: {  	s22 =	sadd.s32 $0x2800, s22;
	s17 =	sadd.s32 $0x580, s17;
	[sflag:s8] =	ssyncadd.s32 $0xFFFFC000  }
0x97: {  	[tilespmem:s25], [sflag:$0x2] =	stream.indirect.gather [hbm4b:s2+s23], $0x80, s17, s23, $0xb8;
	[tilespmem:$0x15C00] =	vst v63  }
0x98: {  	_ =	swait.ge [sflag:s26], $0x4000  }
0x99: {  	[sflag:s26] =	ssyncset.done $0x0  }
0x9a: {  	s5 =	rddreg [dreg:$0xa];
	[sflag:s26] =	ssyncadd.s32 $0xFFFFC000  }
0x9b: {  	[hbm4b:s5+s4] =	stream.linear.scatter [tilespmem:s24], [sflag:$0x6], $0x4000, $0x38;
	[tilespmem:$0x15C00] =	vst v63  }
0x9c: {  	_ =	swait.ge [sflag:s9], $0x4000  }
0x9d: {  	[sflag:s9] =	ssyncset.done $0x0  }
0x9e: {  	s22 =	simm.s32 $0x1780;
	[sflag:s9] =	ssyncadd.s32 $0xFFFFC000  }
0x9f: {  	[tilespmem:s29], [sflag:$0x3] =	stream.indirect.gather [hbm4b:s2+s23], $0x80, s22, s23, $0xb8;
	[tilespmem:$0x15C00] =	vst v63  }
0xa0: {  	_ =	swait.ge [sflag:s30], $0x4000  }
0xa1: {  	[sflag:s30] =	ssyncset.done $0x0  }
0xa2: {  	s13 =	rddreg [dreg:$0xb];
	[sflag:s30] =	ssyncadd.s32 $0xFFFFC000  }
0xa3: {  	[hbm4b:s13+s4] =	stream.linear.scatter [tilespmem:s25], [sflag:$0x7], $0x4000, $0x38;
	[tilespmem:$0x15C00] =	vst v63  }
0xa4: {  	_ =	swait.ge [sflag:s10], $0x4000  }
0xa5: {  	[sflag:s10] =	ssyncset.done $0x0  }
0xa6: {  	s14 =	simm.s32 $0x1800;
	[sflag:s10] =	ssyncadd.s32 $0xFFFFC000  }
0xa7: {  	[tilespmem:s1], [sflag:$0x4] =	stream.indirect.gather [hbm4b:s2+s23], $0x80, s14, s23, $0xb8;
	[tilespmem:$0x15C00] =	vst v63  }
0xa8: {  	_ =	swait.ge [sflag:s0], $0x4000  }
0xa9: {  	[sflag:s0] =	ssyncset.done $0x0  }
0xaa: {  	s15 =	rddreg [dreg:$0xc];
	[sflag:s0] =	ssyncadd.s32 $0xFFFFC000  }
0xab: {  	[hbm4b:s15+s4] =	stream.linear.scatter [tilespmem:s29], [sflag:$0x8], $0x4000, $0x38;
	[tilespmem:$0x15C00] =	vst v63  }
0xac: {  	_ =	swait.ge [sflag:s11], $0x4000  }
0xad: {  	[sflag:s11] =	ssyncset.done $0x0  }
0xae: {  	s16 =	simm.s32 $0x1880;
	[sflag:s11] =	ssyncadd.s32 $0xFFFFC000  }
0xaf: {  	[tilespmem:s31], [sflag:$0x5] =	stream.indirect.gather [hbm4b:s2+s23], $0x80, s16, s23, $0xb8;
	[tilespmem:$0x15C00] =	vst v63  }
0xb0: {  	_ =	swait.ge [sflag:s28], $0x4000  }
0xb1: {  	[sflag:s28] =	ssyncset.done $0x0  }
0xb2: {  	s17 =	rddreg [dreg:$0xd];
	[sflag:s28] =	ssyncadd.s32 $0xFFFFC000  }
0xb3: {  	[hbm4b:s17+s4] =	stream.linear.scatter [tilespmem:s1], [sflag:$0x9], $0x4000, $0x38;
	[tilespmem:$0x15C00] =	vst v63  }
0xb4: {  	_ =	swait.ge [sflag:s7], $0x4000  }
0xb5: {  	[sflag:s7] =	ssyncset.done $0x0  }
0xb6: {  	s18 =	rddreg [dreg:$0xe];
	[sflag:s7] =	ssyncadd.s32 $0xFFFFC000  }
0xb7: {  	[hbm4b:s18+s4] =	stream.linear.scatter [tilespmem:s31], [sflag:$0xA], $0x4000, $0x38;
	[tilespmem:$0x15C00] =	vst v63  }
0xb8: {  	_ =	swait.ge [sflag:s6], $0x4000  }
0xb9: {  	[sflag:s6] =	ssyncset.done $0x0  }
0xba: {  	[sflag:s6] =	ssyncadd.s32 $0xFFFFC000  }
0xbb: {  	_ =	swait.ge [sflag:s8], $0x4000  }
0xbc: {  	[sflag:s8] =	ssyncset.done $0x0  }
0xbd: {  	[sflag:s8] =	ssyncadd.s32 $0xFFFFC000  }
0xbe: {  	_ =	swait.ge [sflag:s9], $0x4000  }
0xbf: {  	[sflag:s9] =	ssyncset.done $0x0  }
0xc0: {  	[sflag:s9] =	ssyncadd.s32 $0xFFFFC000  }
0xc1: {  	_ =	swait.ge [sflag:s10], $0x4000  }
0xc2: {  	[sflag:s10] =	ssyncset.done $0x0  }
0xc3: {  	[sflag:s10] =	ssyncadd.s32 $0xFFFFC000  }
0xc4: {  	_ =	swait.ge [sflag:s11], $0x4000  }
0xc5: {  	s12 =	sadd.s32 $0x1, s12;
	s22 =	rddreg [dreg:$0xf]  }
0xc6: {  	p0 =	sne.s32 s12, s22  }
.Ltmp1:
0xc7: {  	_ = 	snop;
	(pc) =	sbr.rel @p0 .LBB2_1-.Ltmp1, $3  }
0xc8: {  	_ =	sdelay $0x1  }
0xc9: {  	[sflag:s11] =	ssyncset.done $0x0  }
0xca: {  	[sflag:s11] =	ssyncadd.s32 $0xFFFFC000  }
0xcb: {  	_ =	sfence.sel $0x180000  }
0xcc: {  	[bflag:$0x0] =	sbarrier.arrive $0xFFFF  }
0xcd: {  	_ =	strace $0x90000047  }
0xce: {  	s0 =	stileid.u32;
	[bflag:$0x2] =	sbarrier.arrive $0xFFFF  }
0xcf: {  	p0 =	sne.s32 s0, $0x0;
	s0 =	rddreg [dreg:$0x3]  }
0xd0: {  	s0 =	sadd.s32 @!p0 $0x100000, s0  }
0xd1: {  	[sflag:s0] =	ssyncadd.tile.s32 @!p0 $0x1;
	_ =	shalt  }
.Lfunc_end2:
_tile_overlayer_lowered:
.L_overlay_start_2:
0xd2: {  	(tag) =	ssettag $0x2  }
0xd3: {  	s0 =	rddreg [dreg:$0x0];
	s2 =	stileid.u32  }
0xd4: {  	s1 =	rddreg [dreg:$0x1];
	p0 =	sne.s32 s2, $0x0  }
0xd5: {  	s3 =	rddreg [dreg:$0x2];
	[bflag:$0x3] =	sbarrier.arrive $0xFFFF;
	s2 =	simm.s32 @!p0 $0x1C0B  }
0xd6: {  	[timem:s3], [sflag:s2] =	dma.local @!p0 [hbm:s0], s1  }
0xd7: {  	s0 =	simm.s32 @!p0 $0xB  }
0xd8: {  	_ =	swait.ge @!p0 [sflag:s0], s1  }
0xd9: {  	s1 =	ssub.s32 @!p0 $0x0, s1;
	[sflag:s0] =	ssyncset.done @!p0 $0x0  }
0xda: {  	[sflag:s0] =	ssyncadd.s32 @!p0 s1  }
0xdb: {  	[bflag:$0x3] =	sbarrier.arrive $0xFFFF  }
0xdc: {  	_ =	shalt  }

</sc_bundles>
